<compile_context>
chip_gen: v7x
topology: tpu7x:2x2x1
jax: 0.10.2.dev20260603
libtpu: 0.0.44.dev20260713+nightly
codegen_flags: <defaults>
</compile_context>

<pallas_src>
import functools

import jax
import jax.numpy as jnp
from jax import lax
from jax.experimental import pallas as pl
from jax.experimental.pallas import tpu as pltpu
from jax.experimental.pallas import tpu_sc as plsc

INF = 1e8
POS_THRESHOLD = 1e7


def _tile_compute(base, sv, minv, lav, rav, labav, *, M, chunk):
  nch = chunk // 16
  basef = base.astype(jnp.float32)
  ii = lax.iota(jnp.int32, 16)
  iof = ii.astype(jnp.float32)

  limitv = jnp.full((16,), basef + float(chunk), jnp.float32)
  basev = jnp.full((16,), basef, jnp.float32)
  m_countf = jnp.full((16,), float(M), jnp.float32)

  def bounds_body(i, carry):
    hi_acc, lo_min = carry
    s_chunk = sv[pl.ds(i * 16, 16)]
    e_chunk = sv[pl.ds(M + i * 16, 16)]
    hi_acc = hi_acc + jnp.where(s_chunk < limitv, 1.0, 0.0)
    cand = jnp.where(e_chunk >= basev, (i * 16).astype(jnp.float32) + iof,
                     m_countf)
    lo_min = jnp.minimum(lo_min, cand)
    return hi_acc, lo_min

  hi_accv, lo_minv = lax.fori_loop(
      0, M // 16, bounds_body,
      (jnp.zeros((16,), jnp.float32), m_countf))

  red = 3 * M
  sv[pl.ds(red, 16)] = hi_accv
  m_hi_f = sv[pl.ds(red, 16)][0]
  for j in range(1, 16):
    m_hi_f = m_hi_f + sv[pl.ds(red + j, 16)][0]
  sv[pl.ds(red, 16)] = lo_minv
  m_lo_f = sv[pl.ds(red, 16)][0]
  for j in range(1, 16):
    m_lo_f = jnp.minimum(m_lo_f, sv[pl.ds(red + j, 16)][0])
  m_hi = m_hi_f.astype(jnp.int32)
  m_lo = m_lo_f.astype(jnp.int32)

  def init_body(c, _):
    inf = jnp.full((16,), INF, jnp.float32)
    for j in range(8):
      minv[pl.ds((c * 8 + j) * 16, 16)] = inf
    return 0

  lax.fori_loop(0, nch // 8, init_body, 0)

  def m_body(m, _):
    l_m = sv[pl.ds(m, 16)][0]
    r_m = sv[pl.ds(M + m, 16)][0]
    lbc = jnp.full((16,), l_m, jnp.float32)
    rbc = jnp.full((16,), r_m, jnp.float32)
    lo = jnp.maximum(l_m - basef, 0.0)
    hi = jnp.minimum(r_m - basef, float(chunk - 1))
    c0 = lax.shift_right_arithmetic(lo.astype(jnp.int32), 4)
    c1 = lax.shift_right_arithmetic(
        jnp.maximum(hi, -1.0).astype(jnp.int32), 4) + 1

    @pl.when(c0 < c1)
    def _():
      abc = rbc - lbc
      labbc = jnp.full((16,), sv[pl.ds(2 * M + m, 16)][0], jnp.float32)

      def c_body(c, _):
        s = pl.ds(c * 16, 16)
        pv = (base + c * 16).astype(jnp.float32) + iof
        curm = minv[s]
        cond = (pv >= lbc) & (pv <= rbc) & (abc < curm)
        minv[s] = jnp.where(cond, abc, curm)
        lav[s] = jnp.where(cond, lbc, lav[s])
        rav[s] = jnp.where(cond, rbc, rav[s])
        labav[s] = jnp.where(cond, labbc, labav[s])
        return 0

      lax.fori_loop(c0, c1, c_body, 0)

    return 0

  lax.fori_loop(m_lo, m_hi, m_body, 0)


def _make_assign_kernel(B, M, A_PAD, n_workers, row_w):
  tiles_per_sample = n_workers // B
  chunk = A_PAD // tiles_per_sample

  mesh = plsc.VectorSubcoreMesh(core_axis_name="c", subcore_axis_name="s")

  @functools.partial(
      pl.kernel,
      out_type=jax.ShapeDtypeStruct((B, 4, A_PAD), jnp.float32),
      mesh=mesh,
      scratch_types=[
          pltpu.VMEM((row_w + 48,), jnp.float32),
          pltpu.VMEM((4, chunk), jnp.float32),
      ],
  )
  def assign(row_hbm, out_hbm, sv, ov):
    wid = lax.axis_index("c") * 16 + lax.axis_index("s")
    b = wid // tiles_per_sample
    blk = wid % tiles_per_sample
    base = blk * chunk

    pltpu.sync_copy(row_hbm.at[b], sv.at[pl.ds(0, row_w)])

    _tile_compute(base, sv,
                  ov.at[0], ov.at[1], ov.at[2], ov.at[3], M=M, chunk=chunk)

    pltpu.sync_copy(ov, out_hbm.at[b, :, pl.ds(base, chunk)])

  return assign


def _loss_body(c0_ref, c1_ref, lp_ref, rp_ref, q_ref, acc_ref, out_ref,
               *, block_a, a_valid, B, n_k):
  k = pl.program_id(0)
  posv = (k * block_a + lax.broadcasted_iota(jnp.int32, (1, block_a), 1)
          ).astype(jnp.float32)
  maskb = posv < float(a_valid)
  mina = q_ref[:, 0, :]
  la = q_ref[:, 1, :]
  ra = q_ref[:, 2, :]
  lab = q_ref[:, 3, :]
  pos_b = maskb & (mina < POS_THRESHOLD)
  posf = jnp.where(pos_b, 1.0, 0.0)
  t0 = jnp.where(lab == 0.0, posf, 0.0)
  t1 = jnp.where(lab == 1.0, posf, 0.0)

  def focal(x, t):
    p = 1.0 / (1.0 + jnp.exp(-x))
    is_pos = t == 1.0
    pt = jnp.where(is_pos, p, 1.0 - p)
    af = jnp.where(is_pos, 0.25, 0.75)
    bce = -jnp.log(jnp.clip(pt, 1e-6, 1.0))
    one_m = 1.0 - pt
    return af * one_m * one_m * bce

  f = jnp.where(maskb, focal(c0_ref[...], t0) + focal(c1_ref[...], t1), 0.0)
  l_t = posv - la
  r_t = ra - posv
  inter = jnp.minimum(l_t, lp_ref[...]) + jnp.minimum(r_t, rp_ref[...])
  union = jnp.maximum(l_t, lp_ref[...]) + jnp.maximum(r_t, rp_ref[...])
  iou = inter / jnp.maximum(union, 1e-6)
  il = -jnp.log(jnp.clip(iou, 1e-6, 1.0))

  fsum = jnp.sum(f, axis=1, keepdims=True)
  isum = jnp.sum(jnp.where(pos_b, il, 0.0), axis=1, keepdims=True)
  npos = jnp.sum(posf, axis=1, keepdims=True)
  lane = lax.broadcasted_iota(jnp.int32, (1, 128), 1)
  row = (jnp.where(lane == 0, fsum, 0.0)
         + jnp.where(lane == 1, isum, 0.0)
         + jnp.where(lane == 2, npos, 0.0))

  @pl.when(k == 0)
  def _():
    acc_ref[...] = row

  @pl.when(k > 0)
  def _():
    acc_ref[...] = acc_ref[...] + row

  @pl.when(k == n_k - 1)
  def _():
    acc = acc_ref[...]
    fs = acc[:, 0]
    is_ = acc[:, 1]
    np_ = jnp.maximum(acc[:, 2], 1.0)
    loss = jnp.sum((fs + is_) / np_) * (1.0 / B)
    out_ref[...] = jnp.full((1, 128), loss, jnp.float32)


def _make_loss_call(B, A, A_PAD, block_a, interpret=False):
  n_k = A_PAD // block_a
  spec = pl.BlockSpec((B, block_a), lambda k: (0, k))
  q_spec = pl.BlockSpec((B, 4, block_a), lambda k: (0, 0, k))
  return pl.pallas_call(
      functools.partial(_loss_body, block_a=block_a, a_valid=A, B=B, n_k=n_k),
      grid=(n_k,),
      in_specs=[spec] * 4 + [q_spec],
      out_specs=[pl.BlockSpec((B, 128), lambda k: (0, 0)),
                 pl.BlockSpec((1, 128), lambda k: (0, 0))],
      out_shape=[jax.ShapeDtypeStruct((B, 128), jnp.float32),
                 jax.ShapeDtypeStruct((1, 128), jnp.float32)],
      interpret=interpret,
  )


def _prep_row(annotations, B, M):
  return annotations.transpose(0, 2, 1).reshape(B, 3 * M)


def kernel(classifications, regressions, anchors, annotations):
  B, A, C = classifications.shape
  M = annotations.shape[1]
  del anchors
  n_workers = 32
  tiles_per_sample = n_workers // B
  quant = 128 * tiles_per_sample
  A_PAD = ((A + quant - 1) // quant) * quant
  chunk = A_PAD // tiles_per_sample
  row_w = 3 * M

  row = _prep_row(annotations, B, M)
  assign = _make_assign_kernel(B, M, A_PAD, n_workers, row_w)
  q = assign(row)

  c0 = classifications[:, :, 0]
  c1 = classifications[:, :, 1]
  lp = regressions[:, :, 0]
  rp = regressions[:, :, 1]

  loss_call = _make_loss_call(B, A, A_PAD, block_a=4 * chunk)
  _, out = loss_call(c0, c1, lp, rp, q)
  return out[0, 0]

# --- scband reference (transcript-rebuilt; emitter-appended) ---
"""Pipeline reference for scband-combined-loss-88450556494045 (READ-ONLY COPY).

The authoritative reference and input builder live on the scoring server;
editing this copy changes nothing except your own understanding.
"""

import jax, jax.numpy as jnp
import numpy as np

INF = 1e8


def setup_inputs(seed: int = 0) -> dict:
    key = jax.random.key(seed)
    k1, k2, k3, k4, k5 = jax.random.split(key, 5)
    B, A, M, C = 4, 20000, 256, 2
    classifications = jax.random.normal(k1, (B, A, C), dtype=jnp.float32)
    regressions = jax.random.uniform(k2, (B, A, 2), dtype=jnp.float32, minval=0.0, maxval=10.0)
    anchors = jnp.arange(A, dtype=jnp.float32)
    # annotations: (B, M, 3) -> (start, end, class). sorted starts, positive lengths, class in {0,1}
    starts = jnp.sort(jax.random.uniform(k3, (B, M), dtype=jnp.float32, minval=0.0, maxval=float(A - 60)), axis=1)
    lengths = jax.random.uniform(k4, (B, M), dtype=jnp.float32, minval=4.0, maxval=40.0)
    cls = jax.random.randint(k5, (B, M), 0, 2).astype(jnp.float32)
    annotations = jnp.stack([starts, starts + lengths, cls], axis=2)
    return {
        "classifications": classifications,
        "regressions": regressions,
        "anchors": anchors,
        "annotations": annotations,
    }


def reference(classifications, regressions, anchors, annotations):
    # FCOS-style combined loss for 1D (audio beat) detection:
    # anchor->gt assignment via min-area over boxes containing the anchor,
    # focal classification loss + IoU regression loss on positive anchors.
    B, A, C = classifications.shape

    def per_sample(cls_logits, regr, ann):
        l_ann = ann[:, 0]
        r_ann = ann[:, 1]
        labels = ann[:, 2].astype(jnp.int32)
        # (A, M) distance targets
        l_star = anchors[:, None] - l_ann[None, :]
        r_star = r_ann[None, :] - anchors[:, None]
        in_box = (l_star >= 0.0) & (r_star >= 0.0)
        areas = r_ann - l_ann
        area_mat = jnp.where(in_box, areas[None, :], INF)
        min_areas = jnp.min(area_mat, axis=1)
        idx = jnp.argmin(area_mat, axis=1)
        positive = min_areas < INF
        pos_f = positive.astype(jnp.float32)
        num_pos = jnp.maximum(jnp.sum(pos_f), 1.0)
        # classification targets: one-hot of assigned class, zeroed for negatives
        assigned_labels = labels[idx]
        targets = jax.nn.one_hot(assigned_labels, C, dtype=jnp.float32) * pos_f[:, None]
        # focal loss
        p = jax.nn.sigmoid(cls_logits)
        alpha, gamma = 0.25, 2.0
        alpha_factor = jnp.where(targets == 1.0, alpha, 1.0 - alpha)
        pt = jnp.where(targets == 1.0, p, 1.0 - p)
        bce = -(targets * jnp.log(jnp.clip(p, 1e-6, 1.0)) + (1.0 - targets) * jnp.log(jnp.clip(1.0 - p, 1e-6, 1.0)))
        focal = alpha_factor * jnp.power(1.0 - pt, gamma) * bce
        cls_loss = jnp.sum(focal) / num_pos
        # regression IoU loss on positive anchors
        l_t = jnp.take_along_axis(l_star, idx[:, None], axis=1)[:, 0]
        r_t = jnp.take_along_axis(r_star, idx[:, None], axis=1)[:, 0]
        l_p = regr[:, 0]
        r_p = regr[:, 1]
        inter = jnp.minimum(l_t, l_p) + jnp.minimum(r_t, r_p)
        union = jnp.maximum(l_t, l_p) + jnp.maximum(r_t, r_p)
        iou = inter / jnp.clip(union, 1e-6, None)
        iou_loss = -jnp.log(jnp.clip(iou, 1e-6, 1.0))
        reg_loss = jnp.sum(iou_loss * pos_f) / num_pos
        return cls_loss + reg_loss

    losses = jax.vmap(per_sample)(classifications, regressions, annotations)
    return jnp.mean(losses)

if __name__ == "__main__":
    import jax
    _d = setup_inputs()
    print(jax.jit(kernel)(*tuple(_d.values())))

</pallas_src>

<mosaic_0001>
#map = affine_map<(d0, d1) -> (0, 0)>
#map1 = affine_map<(d0, d1) -> (0, 0, 0)>
module attributes {stable_mosaic.version = 14 : i64} {
  func.func @assign(%arg0: i32, %arg1: i32, %arg2: memref<4x768xf32, #tpu.memory_space<hbm>>, %arg3: memref<4x4x20480xf32, #tpu.memory_space<hbm>>, %arg4: memref<816xf32, #tpu.memory_space<vmem>>, %arg5: memref<4x2560xf32, #tpu.memory_space<vmem>>) attributes {dimension_semantics = [#tpu.dimension_semantics<core_parallel>, #tpu.dimension_semantics<subcore_parallel>], iteration_bounds = array<i64: 2, 16>, scalar_prefetch = 0 : i64, scratch_operands = 2 : i64, tpu.core_type = #tpu.core_type<sc_vector_subcore>, window_params = [{transform_indices = #map}, {transform_indices = #map1}]} {
    %mul3A = arith.constant 16 : i32
    %mul3A_0 = arith.muli %arg0, %mul3A : i32
    %add3A = arith.addi %mul3A_0, %arg1 : i32
    %jit3A = arith.constant 8 : i32
    %div3A = arith.divsi %add3A, %jit3A : i32
    %sign3A = arith.constant 0 : i32
    %sign3A_1 = arith.cmpi sgt, %add3A, %sign3A : i32
    %sign3A_2 = arith.extui %sign3A_1 : i1 to i32
    %sign3A_3 = arith.constant 0 : i32
    %sign3A_4 = arith.cmpi slt, %add3A, %sign3A_3 : i32
    %sign3A_5 = arith.extui %sign3A_4 : i1 to i32
    %sign3A_6 = arith.subi %sign3A_2, %sign3A_5 : i32
    %sign3A_7 = arith.constant 0 : i32
    %sign3A_8 = arith.cmpi sgt, %jit3A, %sign3A_7 : i32
    %sign3A_9 = arith.extui %sign3A_8 : i1 to i32
    %sign3A_10 = arith.constant 0 : i32
    %sign3A_11 = arith.cmpi slt, %jit3A, %sign3A_10 : i32
    %sign3A_12 = arith.extui %sign3A_11 : i1 to i32
    %sign3A_13 = arith.subi %sign3A_9, %sign3A_12 : i32
    %ne3A = arith.cmpi ne, %sign3A_6, %sign3A_13 : i32
    %rem3A = arith.remsi %add3A, %jit3A : i32
    %ne3A_14 = arith.constant 0 : i32
    %ne3A_15 = arith.cmpi ne, %rem3A, %ne3A_14 : i32
    %and3A = arith.andi %ne3A, %ne3A_15 : i1
    %sub3A = arith.constant 1 : i32
    %sub3A_16 = arith.subi %div3A, %sub3A : i32
    %select_n3A = arith.select %and3A, %sub3A_16, %div3A : i32
    %jit3A_17 = arith.constant 8 : i32
    %eq3A = arith.constant 0 : i32
    %eq3A_18 = arith.cmpi eq, %jit3A_17, %eq3A : i32
    %jit3A_19 = arith.constant 1 : i32
    %select_n3A_20 = arith.select %eq3A_18, %jit3A_19, %jit3A_17 : i32
    %rem3A_21 = arith.remsi %add3A, %select_n3A_20 : i32
    %ne3A_22 = arith.constant 0 : i32
    %ne3A_23 = arith.cmpi ne, %rem3A_21, %ne3A_22 : i32
    %lt3A = arith.constant 0 : i32
    %lt3A_24 = arith.cmpi slt, %rem3A_21, %lt3A : i32
    %lt3A_25 = arith.constant 0 : i32
    %lt3A_26 = arith.cmpi slt, %select_n3A_20, %lt3A_25 : i32
    %ne3A_27 = arith.xori %lt3A_24, %lt3A_26 : i1
    %and3A_28 = arith.andi %ne3A_27, %ne3A_23 : i1
    %add3A_29 = arith.addi %rem3A_21, %select_n3A_20 : i32
    %select_n3A_30 = arith.select %and3A_28, %add3A_29, %rem3A_21 : i32
    %mul3A_31 = arith.constant 2560 : i32
    %mul3A_32 = arith.muli %select_n3A_30, %mul3A_31 : i32
    "tpu.region"() ({
      %run_scoped3A = tpu.sem_alloc : memref<!tpu.dma_semaphore, #tpu.memory_space<semaphore_mem>>
      %dma_start3A = arith.constant 0 : i32
      %dma_start3A_263 = tpu.memref_slice %arg4[%dma_start3A] : memref<816xf32, #tpu.memory_space<vmem>> -> memref<768xf32, #tpu.memory_space<vmem>>
      %dma_start3A_264 = arith.constant 0 : i32
      %dma_start3A_265 = tpu.memref_slice %arg2[%select_n3A, %dma_start3A_264] : memref<4x768xf32, #tpu.memory_space<hbm>> -> memref<1x768xf32, #tpu.memory_space<hbm>>
      %dma_start3A_266 = tpu.memref_squeeze %dma_start3A_265 : memref<1x768xf32, #tpu.memory_space<hbm>> -> memref<768xf32, #tpu.memory_space<hbm>>
      %dma_start3A_267 = arith.constant 0 : i32
      %dma_start3A_268 = tpu.memref_slice %arg4[%dma_start3A_267] : memref<816xf32, #tpu.memory_space<vmem>> -> memref<768xf32, #tpu.memory_space<vmem>>
      %dma_start3A_269 = arith.constant 0 : i32
      %dma_start3A_270 = tpu.memref_slice %arg2[%select_n3A, %dma_start3A_269] : memref<4x768xf32, #tpu.memory_space<hbm>> -> memref<1x768xf32, #tpu.memory_space<hbm>>
      %dma_start3A_271 = tpu.memref_squeeze %dma_start3A_270 : memref<1x768xf32, #tpu.memory_space<hbm>> -> memref<768xf32, #tpu.memory_space<hbm>>
      tpu.enqueue_dma source(%dma_start3A_271 : memref<768xf32, #tpu.memory_space<hbm>>) target(%dma_start3A_268 : memref<768xf32, #tpu.memory_space<vmem>>) target_semaphore(%run_scoped3A : memref<!tpu.dma_semaphore, #tpu.memory_space<semaphore_mem>>)
      %dma_wait3A = arith.constant 0 : i32
      %dma_wait3A_272 = tpu.memref_slice %arg4[%dma_wait3A] : memref<816xf32, #tpu.memory_space<vmem>> -> memref<768xf32, #tpu.memory_space<vmem>>
      %dma_wait3A_273 = arith.constant 0 : i32
      %dma_wait3A_274 = tpu.memref_slice %arg2[%select_n3A, %dma_wait3A_273] : memref<4x768xf32, #tpu.memory_space<hbm>> -> memref<1x768xf32, #tpu.memory_space<hbm>>
      %dma_wait3A_275 = tpu.memref_squeeze %dma_wait3A_274 : memref<1x768xf32, #tpu.memory_space<hbm>> -> memref<768xf32, #tpu.memory_space<hbm>>
      %dma_wait3A_276 = arith.constant 0 : i32
      %dma_wait3A_277 = tpu.memref_slice %arg4[%dma_wait3A_276] : memref<816xf32, #tpu.memory_space<vmem>> -> memref<768xf32, #tpu.memory_space<vmem>>
      %dma_wait3A_278 = arith.constant 0 : i32
      %dma_wait3A_279 = tpu.memref_slice %arg2[%select_n3A, %dma_wait3A_278] : memref<4x768xf32, #tpu.memory_space<hbm>> -> memref<1x768xf32, #tpu.memory_space<hbm>>
      %dma_wait3A_280 = tpu.memref_squeeze %dma_wait3A_279 : memref<1x768xf32, #tpu.memory_space<hbm>> -> memref<768xf32, #tpu.memory_space<hbm>>
      tpu.wait_dma2 semaphore(%run_scoped3A : memref<!tpu.dma_semaphore, #tpu.memory_space<semaphore_mem>>) src(%dma_wait3A_280 : memref<768xf32, #tpu.memory_space<hbm>>) dst(%dma_wait3A_277 : memref<768xf32, #tpu.memory_space<vmem>>)
      tpu.yield
    }) : () -> ()
    %convert_element_type3A = arith.sitofp %mul3A_32 : i32 to f32
    %iota3A = tpu.iota {dimensions = array<i32: 0>} : vector<16xi32>
    %convert_element_type3A_33 = arith.sitofp %iota3A : vector<16xi32> to vector<16xf32>
    %add3A_34 = arith.constant 2.560000e+03 : f32
    %add3A_35 = arith.addf %convert_element_type3A, %add3A_34 : f32
    %broadcast_in_dim3A = vector.broadcast %add3A_35 : f32 to vector<16xf32>
    %broadcast_in_dim3A_36 = vector.broadcast %convert_element_type3A : f32 to vector<16xf32>
    %broadcast_in_dim3A_37 = arith.constant 2.560000e+02 : f32
    %broadcast_in_dim3A_38 = vector.broadcast %broadcast_in_dim3A_37 : f32 to vector<16xf32>
    %broadcast_in_dim3A_39 = arith.constant 0.000000e+00 : f32
    %broadcast_in_dim3A_40 = vector.broadcast %broadcast_in_dim3A_39 : f32 to vector<16xf32>
    %scan3A = arith.constant 0 : i32
    %scan3A_41 = arith.constant 16 : i32
    %scan3A_42 = arith.addi %scan3A, %scan3A_41 : i32
    %scan3A_43 = arith.constant 1 : i32
    %scan3A_44:2 = scf.for %scan3A_263 = %scan3A to %scan3A_42 step %scan3A_43 iter_args(%scan3A_264 = %broadcast_in_dim3A_40, %scan3A_265 = %broadcast_in_dim3A_38) -> (vector<16xf32>, vector<16xf32>)  : i32 {
      %mul3A_266 = arith.constant 16 : i32
      %mul3A_267 = arith.muli %scan3A_263, %mul3A_266 : i32
      %get3A_268 = arith.index_cast %mul3A_267 : i32 to index
      %get3A_269 = tpu.vector_load %arg4[%get3A_268] {strides = array<i32>} : memref<816xf32, #tpu.memory_space<vmem>>, vector<16xf32>,
      %get3A_270 = vector.shape_cast %get3A_269 : vector<16xf32> to vector<16xf32>
      %mul3A_271 = arith.constant 16 : i32
      %mul3A_272 = arith.muli %scan3A_263, %mul3A_271 : i32
      %add3A_273 = arith.constant 256 : i32
      %add3A_274 = arith.addi %add3A_273, %mul3A_272 : i32
      %get3A_275 = arith.index_cast %add3A_274 : i32 to index
      %get3A_276 = tpu.vector_load %arg4[%get3A_275] {strides = array<i32>} : memref<816xf32, #tpu.memory_space<vmem>>, vector<16xf32>,
      %get3A_277 = vector.shape_cast %get3A_276 : vector<16xf32> to vector<16xf32>
      %lt3A_278 = arith.cmpf olt, %get3A_270, %broadcast_in_dim3A : vector<16xf32>
      %jit3A_279 = arith.constant 1.000000e+00 : f32
      %jit3A_280 = arith.constant 0.000000e+00 : f32
      %broadcast_in_dim3A_281 = vector.broadcast %jit3A_279 : f32 to vector<16xf32>
      %broadcast_in_dim3A_282 = vector.broadcast %jit3A_280 : f32 to vector<16xf32>
      %select_n3A_283 = arith.select %lt3A_278, %broadcast_in_dim3A_281, %broadcast_in_dim3A_282 : vector<16xi1>, vector<16xf32>
      %add3A_284 = arith.addf %scan3A_264, %select_n3A_283 : vector<16xf32>
      %ge3A = arith.cmpf oge, %get3A_277, %broadcast_in_dim3A_36 : vector<16xf32>
      %mul3A_285 = arith.constant 16 : i32
      %mul3A_286 = arith.muli %scan3A_263, %mul3A_285 : i32
      %convert_element_type3A_287 = arith.sitofp %mul3A_286 : i32 to f32
      %add3A_288 = vector.broadcast %convert_element_type3A_287 : f32 to vector<16xf32>
      %add3A_289 = arith.addf %add3A_288, %convert_element_type3A_33 : vector<16xf32>
      %select_n3A_290 = arith.select %ge3A, %add3A_289, %broadcast_in_dim3A_38 : vector<16xi1>, vector<16xf32>
      %min3A_291 = arith.minimumf %scan3A_265, %select_n3A_290 : vector<16xf32>
      scf.yield %add3A_284, %min3A_291 : vector<16xf32>, vector<16xf32>
    }
    %scan3A_45 = arith.constant 16 : i32
    %swap3A = arith.constant 768 : index
    %swap3A_46 = tpu.vector_load %arg4[%swap3A] {strides = array<i32>} : memref<816xf32, #tpu.memory_space<vmem>>, vector<16xf32>,
    %swap3A_47 = vector.shape_cast %swap3A_46 : vector<16xf32> to vector<16xf32>
    %swap3A_48 = vector.shape_cast %scan3A_44#0 : vector<16xf32> to vector<16xf32>
    tpu.vector_store %arg4[%swap3A], %swap3A_48 {strides = array<i32>} : memref<816xf32, #tpu.memory_space<vmem>>, vector<16xf32>,
    %get3A = arith.constant 768 : index
    %get3A_49 = tpu.vector_load %arg4[%get3A] {strides = array<i32>} : memref<816xf32, #tpu.memory_space<vmem>>, vector<16xf32>,
    %get3A_50 = vector.shape_cast %get3A_49 : vector<16xf32> to vector<16xf32>
    %slice3A = vector.extract_strided_slice %get3A_50 {offsets = [0], sizes = [1], strides = [1]} : vector<16xf32> to vector<1xf32>
    %squeeze3A = vector.extract %slice3A[0] : f32 from vector<1xf32>
    %get3A_51 = arith.constant 769 : index
    %get3A_52 = tpu.vector_load %arg4[%get3A_51] {strides = array<i32>} : memref<816xf32, #tpu.memory_space<vmem>>, vector<16xf32>,
    %get3A_53 = vector.shape_cast %get3A_52 : vector<16xf32> to vector<16xf32>
    %slice3A_54 = vector.extract_strided_slice %get3A_53 {offsets = [0], sizes = [1], strides = [1]} : vector<16xf32> to vector<1xf32>
    %squeeze3A_55 = vector.extract %slice3A_54[0] : f32 from vector<1xf32>
    %add3A_56 = arith.addf %squeeze3A, %squeeze3A_55 : f32
    %get3A_57 = arith.constant 770 : index
    %get3A_58 = tpu.vector_load %arg4[%get3A_57] {strides = array<i32>} : memref<816xf32, #tpu.memory_space<vmem>>, vector<16xf32>,
    %get3A_59 = vector.shape_cast %get3A_58 : vector<16xf32> to vector<16xf32>
    %slice3A_60 = vector.extract_strided_slice %get3A_59 {offsets = [0], sizes = [1], strides = [1]} : vector<16xf32> to vector<1xf32>
    %squeeze3A_61 = vector.extract %slice3A_60[0] : f32 from vector<1xf32>
    %add3A_62 = arith.addf %add3A_56, %squeeze3A_61 : f32
    %get3A_63 = arith.constant 771 : index
    %get3A_64 = tpu.vector_load %arg4[%get3A_63] {strides = array<i32>} : memref<816xf32, #tpu.memory_space<vmem>>, vector<16xf32>,
    %get3A_65 = vector.shape_cast %get3A_64 : vector<16xf32> to vector<16xf32>
    %slice3A_66 = vector.extract_strided_slice %get3A_65 {offsets = [0], sizes = [1], strides = [1]} : vector<16xf32> to vector<1xf32>
    %squeeze3A_67 = vector.extract %slice3A_66[0] : f32 from vector<1xf32>
    %add3A_68 = arith.addf %add3A_62, %squeeze3A_67 : f32
    %get3A_69 = arith.constant 772 : index
    %get3A_70 = tpu.vector_load %arg4[%get3A_69] {strides = array<i32>} : memref<816xf32, #tpu.memory_space<vmem>>, vector<16xf32>,
    %get3A_71 = vector.shape_cast %get3A_70 : vector<16xf32> to vector<16xf32>
    %slice3A_72 = vector.extract_strided_slice %get3A_71 {offsets = [0], sizes = [1], strides = [1]} : vector<16xf32> to vector<1xf32>
    %squeeze3A_73 = vector.extract %slice3A_72[0] : f32 from vector<1xf32>
    %add3A_74 = arith.addf %add3A_68, %squeeze3A_73 : f32
    %get3A_75 = arith.constant 773 : index
    %get3A_76 = tpu.vector_load %arg4[%get3A_75] {strides = array<i32>} : memref<816xf32, #tpu.memory_space<vmem>>, vector<16xf32>,
    %get3A_77 = vector.shape_cast %get3A_76 : vector<16xf32> to vector<16xf32>
    %slice3A_78 = vector.extract_strided_slice %get3A_77 {offsets = [0], sizes = [1], strides = [1]} : vector<16xf32> to vector<1xf32>
    %squeeze3A_79 = vector.extract %slice3A_78[0] : f32 from vector<1xf32>
    %add3A_80 = arith.addf %add3A_74, %squeeze3A_79 : f32
    %get3A_81 = arith.constant 774 : index
    %get3A_82 = tpu.vector_load %arg4[%get3A_81] {strides = array<i32>} : memref<816xf32, #tpu.memory_space<vmem>>, vector<16xf32>,
    %get3A_83 = vector.shape_cast %get3A_82 : vector<16xf32> to vector<16xf32>
    %slice3A_84 = vector.extract_strided_slice %get3A_83 {offsets = [0], sizes = [1], strides = [1]} : vector<16xf32> to vector<1xf32>
    %squeeze3A_85 = vector.extract %slice3A_84[0] : f32 from vector<1xf32>
    %add3A_86 = arith.addf %add3A_80, %squeeze3A_85 : f32
    %get3A_87 = arith.constant 775 : index
    %get3A_88 = tpu.vector_load %arg4[%get3A_87] {strides = array<i32>} : memref<816xf32, #tpu.memory_space<vmem>>, vector<16xf32>,
    %get3A_89 = vector.shape_cast %get3A_88 : vector<16xf32> to vector<16xf32>
    %slice3A_90 = vector.extract_strided_slice %get3A_89 {offsets = [0], sizes = [1], strides = [1]} : vector<16xf32> to vector<1xf32>
    %squeeze3A_91 = vector.extract %slice3A_90[0] : f32 from vector<1xf32>
    %add3A_92 = arith.addf %add3A_86, %squeeze3A_91 : f32
    %get3A_93 = arith.constant 776 : index
    %get3A_94 = tpu.vector_load %arg4[%get3A_93] {strides = array<i32>} : memref<816xf32, #tpu.memory_space<vmem>>, vector<16xf32>,
    %get3A_95 = vector.shape_cast %get3A_94 : vector<16xf32> to vector<16xf32>
    %slice3A_96 = vector.extract_strided_slice %get3A_95 {offsets = [0], sizes = [1], strides = [1]} : vector<16xf32> to vector<1xf32>
    %squeeze3A_97 = vector.extract %slice3A_96[0] : f32 from vector<1xf32>
    %add3A_98 = arith.addf %add3A_92, %squeeze3A_97 : f32
    %get3A_99 = arith.constant 777 : index
    %get3A_100 = tpu.vector_load %arg4[%get3A_99] {strides = array<i32>} : memref<816xf32, #tpu.memory_space<vmem>>, vector<16xf32>,
    %get3A_101 = vector.shape_cast %get3A_100 : vector<16xf32> to vector<16xf32>
    %slice3A_102 = vector.extract_strided_slice %get3A_101 {offsets = [0], sizes = [1], strides = [1]} : vector<16xf32> to vector<1xf32>
    %squeeze3A_103 = vector.extract %slice3A_102[0] : f32 from vector<1xf32>
    %add3A_104 = arith.addf %add3A_98, %squeeze3A_103 : f32
    %get3A_105 = arith.constant 778 : index
    %get3A_106 = tpu.vector_load %arg4[%get3A_105] {strides = array<i32>} : memref<816xf32, #tpu.memory_space<vmem>>, vector<16xf32>,
    %get3A_107 = vector.shape_cast %get3A_106 : vector<16xf32> to vector<16xf32>
    %slice3A_108 = vector.extract_strided_slice %get3A_107 {offsets = [0], sizes = [1], strides = [1]} : vector<16xf32> to vector<1xf32>
    %squeeze3A_109 = vector.extract %slice3A_108[0] : f32 from vector<1xf32>
    %add3A_110 = arith.addf %add3A_104, %squeeze3A_109 : f32
    %get3A_111 = arith.constant 779 : index
    %get3A_112 = tpu.vector_load %arg4[%get3A_111] {strides = array<i32>} : memref<816xf32, #tpu.memory_space<vmem>>, vector<16xf32>,
    %get3A_113 = vector.shape_cast %get3A_112 : vector<16xf32> to vector<16xf32>
    %slice3A_114 = vector.extract_strided_slice %get3A_113 {offsets = [0], sizes = [1], strides = [1]} : vector<16xf32> to vector<1xf32>
    %squeeze3A_115 = vector.extract %slice3A_114[0] : f32 from vector<1xf32>
    %add3A_116 = arith.addf %add3A_110, %squeeze3A_115 : f32
    %get3A_117 = arith.constant 780 : index
    %get3A_118 = tpu.vector_load %arg4[%get3A_117] {strides = array<i32>} : memref<816xf32, #tpu.memory_space<vmem>>, vector<16xf32>,
    %get3A_119 = vector.shape_cast %get3A_118 : vector<16xf32> to vector<16xf32>
    %slice3A_120 = vector.extract_strided_slice %get3A_119 {offsets = [0], sizes = [1], strides = [1]} : vector<16xf32> to vector<1xf32>
    %squeeze3A_121 = vector.extract %slice3A_120[0] : f32 from vector<1xf32>
    %add3A_122 = arith.addf %add3A_116, %squeeze3A_121 : f32
    %get3A_123 = arith.constant 781 : index
    %get3A_124 = tpu.vector_load %arg4[%get3A_123] {strides = array<i32>} : memref<816xf32, #tpu.memory_space<vmem>>, vector<16xf32>,
    %get3A_125 = vector.shape_cast %get3A_124 : vector<16xf32> to vector<16xf32>
    %slice3A_126 = vector.extract_strided_slice %get3A_125 {offsets = [0], sizes = [1], strides = [1]} : vector<16xf32> to vector<1xf32>
    %squeeze3A_127 = vector.extract %slice3A_126[0] : f32 from vector<1xf32>
    %add3A_128 = arith.addf %add3A_122, %squeeze3A_127 : f32
    %get3A_129 = arith.constant 782 : index
    %get3A_130 = tpu.vector_load %arg4[%get3A_129] {strides = array<i32>} : memref<816xf32, #tpu.memory_space<vmem>>, vector<16xf32>,
    %get3A_131 = vector.shape_cast %get3A_130 : vector<16xf32> to vector<16xf32>
    %slice3A_132 = vector.extract_strided_slice %get3A_131 {offsets = [0], sizes = [1], strides = [1]} : vector<16xf32> to vector<1xf32>
    %squeeze3A_133 = vector.extract %slice3A_132[0] : f32 from vector<1xf32>
    %add3A_134 = arith.addf %add3A_128, %squeeze3A_133 : f32
    %get3A_135 = arith.constant 783 : index
    %get3A_136 = tpu.vector_load %arg4[%get3A_135] {strides = array<i32>} : memref<816xf32, #tpu.memory_space<vmem>>, vector<16xf32>,
    %get3A_137 = vector.shape_cast %get3A_136 : vector<16xf32> to vector<16xf32>
    %slice3A_138 = vector.extract_strided_slice %get3A_137 {offsets = [0], sizes = [1], strides = [1]} : vector<16xf32> to vector<1xf32>
    %squeeze3A_139 = vector.extract %slice3A_138[0] : f32 from vector<1xf32>
    %add3A_140 = arith.addf %add3A_134, %squeeze3A_139 : f32
    %swap3A_141 = arith.constant 768 : index
    %swap3A_142 = tpu.vector_load %arg4[%swap3A_141] {strides = array<i32>} : memref<816xf32, #tpu.memory_space<vmem>>, vector<16xf32>,
    %swap3A_143 = vector.shape_cast %swap3A_142 : vector<16xf32> to vector<16xf32>
    %swap3A_144 = vector.shape_cast %scan3A_44#1 : vector<16xf32> to vector<16xf32>
    tpu.vector_store %arg4[%swap3A_141], %swap3A_144 {strides = array<i32>} : memref<816xf32, #tpu.memory_space<vmem>>, vector<16xf32>,
    %get3A_145 = arith.constant 768 : index
    %get3A_146 = tpu.vector_load %arg4[%get3A_145] {strides = array<i32>} : memref<816xf32, #tpu.memory_space<vmem>>, vector<16xf32>,
    %get3A_147 = vector.shape_cast %get3A_146 : vector<16xf32> to vector<16xf32>
    %slice3A_148 = vector.extract_strided_slice %get3A_147 {offsets = [0], sizes = [1], strides = [1]} : vector<16xf32> to vector<1xf32>
    %squeeze3A_149 = vector.extract %slice3A_148[0] : f32 from vector<1xf32>
    %get3A_150 = arith.constant 769 : index
    %get3A_151 = tpu.vector_load %arg4[%get3A_150] {strides = array<i32>} : memref<816xf32, #tpu.memory_space<vmem>>, vector<16xf32>,
    %get3A_152 = vector.shape_cast %get3A_151 : vector<16xf32> to vector<16xf32>
    %slice3A_153 = vector.extract_strided_slice %get3A_152 {offsets = [0], sizes = [1], strides = [1]} : vector<16xf32> to vector<1xf32>
    %squeeze3A_154 = vector.extract %slice3A_153[0] : f32 from vector<1xf32>
    %min3A = arith.minimumf %squeeze3A_149, %squeeze3A_154 : f32
    %get3A_155 = arith.constant 770 : index
    %get3A_156 = tpu.vector_load %arg4[%get3A_155] {strides = array<i32>} : memref<816xf32, #tpu.memory_space<vmem>>, vector<16xf32>,
    %get3A_157 = vector.shape_cast %get3A_156 : vector<16xf32> to vector<16xf32>
    %slice3A_158 = vector.extract_strided_slice %get3A_157 {offsets = [0], sizes = [1], strides = [1]} : vector<16xf32> to vector<1xf32>
    %squeeze3A_159 = vector.extract %slice3A_158[0] : f32 from vector<1xf32>
    %min3A_160 = arith.minimumf %min3A, %squeeze3A_159 : f32
    %get3A_161 = arith.constant 771 : index
    %get3A_162 = tpu.vector_load %arg4[%get3A_161] {strides = array<i32>} : memref<816xf32, #tpu.memory_space<vmem>>, vector<16xf32>,
    %get3A_163 = vector.shape_cast %get3A_162 : vector<16xf32> to vector<16xf32>
    %slice3A_164 = vector.extract_strided_slice %get3A_163 {offsets = [0], sizes = [1], strides = [1]} : vector<16xf32> to vector<1xf32>
    %squeeze3A_165 = vector.extract %slice3A_164[0] : f32 from vector<1xf32>
    %min3A_166 = arith.minimumf %min3A_160, %squeeze3A_165 : f32
    %get3A_167 = arith.constant 772 : index
    %get3A_168 = tpu.vector_load %arg4[%get3A_167] {strides = array<i32>} : memref<816xf32, #tpu.memory_space<vmem>>, vector<16xf32>,
    %get3A_169 = vector.shape_cast %get3A_168 : vector<16xf32> to vector<16xf32>
    %slice3A_170 = vector.extract_strided_slice %get3A_169 {offsets = [0], sizes = [1], strides = [1]} : vector<16xf32> to vector<1xf32>
    %squeeze3A_171 = vector.extract %slice3A_170[0] : f32 from vector<1xf32>
    %min3A_172 = arith.minimumf %min3A_166, %squeeze3A_171 : f32
    %get3A_173 = arith.constant 773 : index
    %get3A_174 = tpu.vector_load %arg4[%get3A_173] {strides = array<i32>} : memref<816xf32, #tpu.memory_space<vmem>>, vector<16xf32>,
    %get3A_175 = vector.shape_cast %get3A_174 : vector<16xf32> to vector<16xf32>
    %slice3A_176 = vector.extract_strided_slice %get3A_175 {offsets = [0], sizes = [1], strides = [1]} : vector<16xf32> to vector<1xf32>
    %squeeze3A_177 = vector.extract %slice3A_176[0] : f32 from vector<1xf32>
    %min3A_178 = arith.minimumf %min3A_172, %squeeze3A_177 : f32
    %get3A_179 = arith.constant 774 : index
    %get3A_180 = tpu.vector_load %arg4[%get3A_179] {strides = array<i32>} : memref<816xf32, #tpu.memory_space<vmem>>, vector<16xf32>,
    %get3A_181 = vector.shape_cast %get3A_180 : vector<16xf32> to vector<16xf32>
    %slice3A_182 = vector.extract_strided_slice %get3A_181 {offsets = [0], sizes = [1], strides = [1]} : vector<16xf32> to vector<1xf32>
    %squeeze3A_183 = vector.extract %slice3A_182[0] : f32 from vector<1xf32>
    %min3A_184 = arith.minimumf %min3A_178, %squeeze3A_183 : f32
    %get3A_185 = arith.constant 775 : index
    %get3A_186 = tpu.vector_load %arg4[%get3A_185] {strides = array<i32>} : memref<816xf32, #tpu.memory_space<vmem>>, vector<16xf32>,
    %get3A_187 = vector.shape_cast %get3A_186 : vector<16xf32> to vector<16xf32>
    %slice3A_188 = vector.extract_strided_slice %get3A_187 {offsets = [0], sizes = [1], strides = [1]} : vector<16xf32> to vector<1xf32>
    %squeeze3A_189 = vector.extract %slice3A_188[0] : f32 from vector<1xf32>
    %min3A_190 = arith.minimumf %min3A_184, %squeeze3A_189 : f32
    %get3A_191 = arith.constant 776 : index
    %get3A_192 = tpu.vector_load %arg4[%get3A_191] {strides = array<i32>} : memref<816xf32, #tpu.memory_space<vmem>>, vector<16xf32>,
    %get3A_193 = vector.shape_cast %get3A_192 : vector<16xf32> to vector<16xf32>
    %slice3A_194 = vector.extract_strided_slice %get3A_193 {offsets = [0], sizes = [1], strides = [1]} : vector<16xf32> to vector<1xf32>
    %squeeze3A_195 = vector.extract %slice3A_194[0] : f32 from vector<1xf32>
    %min3A_196 = arith.minimumf %min3A_190, %squeeze3A_195 : f32
    %get3A_197 = arith.constant 777 : index
    %get3A_198 = tpu.vector_load %arg4[%get3A_197] {strides = array<i32>} : memref<816xf32, #tpu.memory_space<vmem>>, vector<16xf32>,
    %get3A_199 = vector.shape_cast %get3A_198 : vector<16xf32> to vector<16xf32>
    %slice3A_200 = vector.extract_strided_slice %get3A_199 {offsets = [0], sizes = [1], strides = [1]} : vector<16xf32> to vector<1xf32>
    %squeeze3A_201 = vector.extract %slice3A_200[0] : f32 from vector<1xf32>
    %min3A_202 = arith.minimumf %min3A_196, %squeeze3A_201 : f32
    %get3A_203 = arith.constant 778 : index
    %get3A_204 = tpu.vector_load %arg4[%get3A_203] {strides = array<i32>} : memref<816xf32, #tpu.memory_space<vmem>>, vector<16xf32>,
    %get3A_205 = vector.shape_cast %get3A_204 : vector<16xf32> to vector<16xf32>
    %slice3A_206 = vector.extract_strided_slice %get3A_205 {offsets = [0], sizes = [1], strides = [1]} : vector<16xf32> to vector<1xf32>
    %squeeze3A_207 = vector.extract %slice3A_206[0] : f32 from vector<1xf32>
    %min3A_208 = arith.minimumf %min3A_202, %squeeze3A_207 : f32
    %get3A_209 = arith.constant 779 : index
    %get3A_210 = tpu.vector_load %arg4[%get3A_209] {strides = array<i32>} : memref<816xf32, #tpu.memory_space<vmem>>, vector<16xf32>,
    %get3A_211 = vector.shape_cast %get3A_210 : vector<16xf32> to vector<16xf32>
    %slice3A_212 = vector.extract_strided_slice %get3A_211 {offsets = [0], sizes = [1], strides = [1]} : vector<16xf32> to vector<1xf32>
    %squeeze3A_213 = vector.extract %slice3A_212[0] : f32 from vector<1xf32>
    %min3A_214 = arith.minimumf %min3A_208, %squeeze3A_213 : f32
    %get3A_215 = arith.constant 780 : index
    %get3A_216 = tpu.vector_load %arg4[%get3A_215] {strides = array<i32>} : memref<816xf32, #tpu.memory_space<vmem>>, vector<16xf32>,
    %get3A_217 = vector.shape_cast %get3A_216 : vector<16xf32> to vector<16xf32>
    %slice3A_218 = vector.extract_strided_slice %get3A_217 {offsets = [0], sizes = [1], strides = [1]} : vector<16xf32> to vector<1xf32>
    %squeeze3A_219 = vector.extract %slice3A_218[0] : f32 from vector<1xf32>
    %min3A_220 = arith.minimumf %min3A_214, %squeeze3A_219 : f32
    %get3A_221 = arith.constant 781 : index
    %get3A_222 = tpu.vector_load %arg4[%get3A_221] {strides = array<i32>} : memref<816xf32, #tpu.memory_space<vmem>>, vector<16xf32>,
    %get3A_223 = vector.shape_cast %get3A_222 : vector<16xf32> to vector<16xf32>
    %slice3A_224 = vector.extract_strided_slice %get3A_223 {offsets = [0], sizes = [1], strides = [1]} : vector<16xf32> to vector<1xf32>
    %squeeze3A_225 = vector.extract %slice3A_224[0] : f32 from vector<1xf32>
    %min3A_226 = arith.minimumf %min3A_220, %squeeze3A_225 : f32
    %get3A_227 = arith.constant 782 : index
    %get3A_228 = tpu.vector_load %arg4[%get3A_227] {strides = array<i32>} : memref<816xf32, #tpu.memory_space<vmem>>, vector<16xf32>,
    %get3A_229 = vector.shape_cast %get3A_228 : vector<16xf32> to vector<16xf32>
    %slice3A_230 = vector.extract_strided_slice %get3A_229 {offsets = [0], sizes = [1], strides = [1]} : vector<16xf32> to vector<1xf32>
    %squeeze3A_231 = vector.extract %slice3A_230[0] : f32 from vector<1xf32>
    %min3A_232 = arith.minimumf %min3A_226, %squeeze3A_231 : f32
    %get3A_233 = arith.constant 783 : index
    %get3A_234 = tpu.vector_load %arg4[%get3A_233] {strides = array<i32>} : memref<816xf32, #tpu.memory_space<vmem>>, vector<16xf32>,
    %get3A_235 = vector.shape_cast %get3A_234 : vector<16xf32> to vector<16xf32>
    %slice3A_236 = vector.extract_strided_slice %get3A_235 {offsets = [0], sizes = [1], strides = [1]} : vector<16xf32> to vector<1xf32>
    %squeeze3A_237 = vector.extract %slice3A_236[0] : f32 from vector<1xf32>
    %min3A_238 = arith.minimumf %min3A_232, %squeeze3A_237 : f32
    %convert_element_type3A_239 = arith.fptosi %add3A_140 : f32 to i32
    %convert_element_type3A_240 = arith.fptosi %min3A_238 : f32 to i32
    %scan3A_241 = arith.constant 0 : i32
    %scan3A_242 = arith.constant 0 : i32
    %scan3A_243 = arith.constant 0 : i32
    %scan3A_244 = arith.constant 20 : i32
    %scan3A_245 = arith.addi %scan3A_243, %scan3A_244 : i32
    %scan3A_246 = arith.constant 1 : i32
    %scan3A_247 = scf.for %scan3A_263 = %scan3A_243 to %scan3A_245 step %scan3A_246 iter_args(%scan3A_264 = %scan3A_242) -> (i32)  : i32 {
      %broadcast_in_dim3A_265 = arith.constant 1.000000e+08 : f32
      %broadcast_in_dim3A_266 = vector.broadcast %broadcast_in_dim3A_265 : f32 to vector<16xf32>
      %mul3A_267 = arith.constant 8 : i32
      %mul3A_268 = arith.muli %scan3A_263, %mul3A_267 : i32
      %add3A_269 = arith.constant 0 : i32
      %add3A_270 = arith.addi %mul3A_268, %add3A_269 : i32
      %mul3A_271 = arith.constant 16 : i32
      %mul3A_272 = arith.muli %add3A_270, %mul3A_271 : i32
      %swap3A_273 = arith.constant 0 : i32
      %swap3A_274 = tpu.memref_slice %arg5[%scan3A_241, %swap3A_273] : memref<4x2560xf32, #tpu.memory_space<vmem>> -> memref<1x2560xf32, #tpu.memory_space<vmem>>
      %swap3A_275 = tpu.memref_squeeze %swap3A_274 : memref<1x2560xf32, #tpu.memory_space<vmem>> -> memref<2560xf32, #tpu.memory_space<vmem>>
      %swap3A_276 = arith.index_cast %mul3A_272 : i32 to index
      %swap3A_277 = tpu.vector_load %swap3A_275[%swap3A_276] {strides = array<i32>} : memref<2560xf32, #tpu.memory_space<vmem>>, vector<16xf32>,
      %swap3A_278 = vector.shape_cast %swap3A_277 : vector<16xf32> to vector<16xf32>
      %swap3A_279 = vector.shape_cast %broadcast_in_dim3A_266 : vector<16xf32> to vector<16xf32>
      tpu.vector_store %swap3A_275[%swap3A_276], %swap3A_279 {strides = array<i32>} : memref<2560xf32, #tpu.memory_space<vmem>>, vector<16xf32>,
      %mul3A_280 = arith.constant 8 : i32
      %mul3A_281 = arith.muli %scan3A_263, %mul3A_280 : i32
      %add3A_282 = arith.constant 1 : i32
      %add3A_283 = arith.addi %mul3A_281, %add3A_282 : i32
      %mul3A_284 = arith.constant 16 : i32
      %mul3A_285 = arith.muli %add3A_283, %mul3A_284 : i32
      %swap3A_286 = arith.constant 0 : i32
      %swap3A_287 = tpu.memref_slice %arg5[%scan3A_241, %swap3A_286] : memref<4x2560xf32, #tpu.memory_space<vmem>> -> memref<1x2560xf32, #tpu.memory_space<vmem>>
      %swap3A_288 = tpu.memref_squeeze %swap3A_287 : memref<1x2560xf32, #tpu.memory_space<vmem>> -> memref<2560xf32, #tpu.memory_space<vmem>>
      %swap3A_289 = arith.index_cast %mul3A_285 : i32 to index
      %swap3A_290 = tpu.vector_load %swap3A_288[%swap3A_289] {strides = array<i32>} : memref<2560xf32, #tpu.memory_space<vmem>>, vector<16xf32>,
      %swap3A_291 = vector.shape_cast %swap3A_290 : vector<16xf32> to vector<16xf32>
      %swap3A_292 = vector.shape_cast %broadcast_in_dim3A_266 : vector<16xf32> to vector<16xf32>
      tpu.vector_store %swap3A_288[%swap3A_289], %swap3A_292 {strides = array<i32>} : memref<2560xf32, #tpu.memory_space<vmem>>, vector<16xf32>,
      %mul3A_293 = arith.constant 8 : i32
      %mul3A_294 = arith.muli %scan3A_263, %mul3A_293 : i32
      %add3A_295 = arith.constant 2 : i32
      %add3A_296 = arith.addi %mul3A_294, %add3A_295 : i32
      %mul3A_297 = arith.constant 16 : i32
      %mul3A_298 = arith.muli %add3A_296, %mul3A_297 : i32
      %swap3A_299 = arith.constant 0 : i32
      %swap3A_300 = tpu.memref_slice %arg5[%scan3A_241, %swap3A_299] : memref<4x2560xf32, #tpu.memory_space<vmem>> -> memref<1x2560xf32, #tpu.memory_space<vmem>>
      %swap3A_301 = tpu.memref_squeeze %swap3A_300 : memref<1x2560xf32, #tpu.memory_space<vmem>> -> memref<2560xf32, #tpu.memory_space<vmem>>
      %swap3A_302 = arith.index_cast %mul3A_298 : i32 to index
      %swap3A_303 = tpu.vector_load %swap3A_301[%swap3A_302] {strides = array<i32>} : memref<2560xf32, #tpu.memory_space<vmem>>, vector<16xf32>,
      %swap3A_304 = vector.shape_cast %swap3A_303 : vector<16xf32> to vector<16xf32>
      %swap3A_305 = vector.shape_cast %broadcast_in_dim3A_266 : vector<16xf32> to vector<16xf32>
      tpu.vector_store %swap3A_301[%swap3A_302], %swap3A_305 {strides = array<i32>} : memref<2560xf32, #tpu.memory_space<vmem>>, vector<16xf32>,
      %mul3A_306 = arith.constant 8 : i32
      %mul3A_307 = arith.muli %scan3A_263, %mul3A_306 : i32
      %add3A_308 = arith.constant 3 : i32
      %add3A_309 = arith.addi %mul3A_307, %add3A_308 : i32
      %mul3A_310 = arith.constant 16 : i32
      %mul3A_311 = arith.muli %add3A_309, %mul3A_310 : i32
      %swap3A_312 = arith.constant 0 : i32
      %swap3A_313 = tpu.memref_slice %arg5[%scan3A_241, %swap3A_312] : memref<4x2560xf32, #tpu.memory_space<vmem>> -> memref<1x2560xf32, #tpu.memory_space<vmem>>
      %swap3A_314 = tpu.memref_squeeze %swap3A_313 : memref<1x2560xf32, #tpu.memory_space<vmem>> -> memref<2560xf32, #tpu.memory_space<vmem>>
      %swap3A_315 = arith.index_cast %mul3A_311 : i32 to index
      %swap3A_316 = tpu.vector_load %swap3A_314[%swap3A_315] {strides = array<i32>} : memref<2560xf32, #tpu.memory_space<vmem>>, vector<16xf32>,
      %swap3A_317 = vector.shape_cast %swap3A_316 : vector<16xf32> to vector<16xf32>
      %swap3A_318 = vector.shape_cast %broadcast_in_dim3A_266 : vector<16xf32> to vector<16xf32>
      tpu.vector_store %swap3A_314[%swap3A_315], %swap3A_318 {strides = array<i32>} : memref<2560xf32, #tpu.memory_space<vmem>>, vector<16xf32>,
      %mul3A_319 = arith.constant 8 : i32
      %mul3A_320 = arith.muli %scan3A_263, %mul3A_319 : i32
      %add3A_321 = arith.constant 4 : i32
      %add3A_322 = arith.addi %mul3A_320, %add3A_321 : i32
      %mul3A_323 = arith.constant 16 : i32
      %mul3A_324 = arith.muli %add3A_322, %mul3A_323 : i32
      %swap3A_325 = arith.constant 0 : i32
      %swap3A_326 = tpu.memref_slice %arg5[%scan3A_241, %swap3A_325] : memref<4x2560xf32, #tpu.memory_space<vmem>> -> memref<1x2560xf32, #tpu.memory_space<vmem>>
      %swap3A_327 = tpu.memref_squeeze %swap3A_326 : memref<1x2560xf32, #tpu.memory_space<vmem>> -> memref<2560xf32, #tpu.memory_space<vmem>>
      %swap3A_328 = arith.index_cast %mul3A_324 : i32 to index
      %swap3A_329 = tpu.vector_load %swap3A_327[%swap3A_328] {strides = array<i32>} : memref<2560xf32, #tpu.memory_space<vmem>>, vector<16xf32>,
      %swap3A_330 = vector.shape_cast %swap3A_329 : vector<16xf32> to vector<16xf32>
      %swap3A_331 = vector.shape_cast %broadcast_in_dim3A_266 : vector<16xf32> to vector<16xf32>
      tpu.vector_store %swap3A_327[%swap3A_328], %swap3A_331 {strides = array<i32>} : memref<2560xf32, #tpu.memory_space<vmem>>, vector<16xf32>,
      %mul3A_332 = arith.constant 8 : i32
      %mul3A_333 = arith.muli %scan3A_263, %mul3A_332 : i32
      %add3A_334 = arith.constant 5 : i32
      %add3A_335 = arith.addi %mul3A_333, %add3A_334 : i32
      %mul3A_336 = arith.constant 16 : i32
      %mul3A_337 = arith.muli %add3A_335, %mul3A_336 : i32
      %swap3A_338 = arith.constant 0 : i32
      %swap3A_339 = tpu.memref_slice %arg5[%scan3A_241, %swap3A_338] : memref<4x2560xf32, #tpu.memory_space<vmem>> -> memref<1x2560xf32, #tpu.memory_space<vmem>>
      %swap3A_340 = tpu.memref_squeeze %swap3A_339 : memref<1x2560xf32, #tpu.memory_space<vmem>> -> memref<2560xf32, #tpu.memory_space<vmem>>
      %swap3A_341 = arith.index_cast %mul3A_337 : i32 to index
      %swap3A_342 = tpu.vector_load %swap3A_340[%swap3A_341] {strides = array<i32>} : memref<2560xf32, #tpu.memory_space<vmem>>, vector<16xf32>,
      %swap3A_343 = vector.shape_cast %swap3A_342 : vector<16xf32> to vector<16xf32>
      %swap3A_344 = vector.shape_cast %broadcast_in_dim3A_266 : vector<16xf32> to vector<16xf32>
      tpu.vector_store %swap3A_340[%swap3A_341], %swap3A_344 {strides = array<i32>} : memref<2560xf32, #tpu.memory_space<vmem>>, vector<16xf32>,
      %mul3A_345 = arith.constant 8 : i32
      %mul3A_346 = arith.muli %scan3A_263, %mul3A_345 : i32
      %add3A_347 = arith.constant 6 : i32
      %add3A_348 = arith.addi %mul3A_346, %add3A_347 : i32
      %mul3A_349 = arith.constant 16 : i32
      %mul3A_350 = arith.muli %add3A_348, %mul3A_349 : i32
      %swap3A_351 = arith.constant 0 : i32
      %swap3A_352 = tpu.memref_slice %arg5[%scan3A_241, %swap3A_351] : memref<4x2560xf32, #tpu.memory_space<vmem>> -> memref<1x2560xf32, #tpu.memory_space<vmem>>
      %swap3A_353 = tpu.memref_squeeze %swap3A_352 : memref<1x2560xf32, #tpu.memory_space<vmem>> -> memref<2560xf32, #tpu.memory_space<vmem>>
      %swap3A_354 = arith.index_cast %mul3A_350 : i32 to index
      %swap3A_355 = tpu.vector_load %swap3A_353[%swap3A_354] {strides = array<i32>} : memref<2560xf32, #tpu.memory_space<vmem>>, vector<16xf32>,
      %swap3A_356 = vector.shape_cast %swap3A_355 : vector<16xf32> to vector<16xf32>
      %swap3A_357 = vector.shape_cast %broadcast_in_dim3A_266 : vector<16xf32> to vector<16xf32>
      tpu.vector_store %swap3A_353[%swap3A_354], %swap3A_357 {strides = array<i32>} : memref<2560xf32, #tpu.memory_space<vmem>>, vector<16xf32>,
      %mul3A_358 = arith.constant 8 : i32
      %mul3A_359 = arith.muli %scan3A_263, %mul3A_358 : i32
      %add3A_360 = arith.constant 7 : i32
      %add3A_361 = arith.addi %mul3A_359, %add3A_360 : i32
      %mul3A_362 = arith.constant 16 : i32
      %mul3A_363 = arith.muli %add3A_361, %mul3A_362 : i32
      %swap3A_364 = arith.constant 0 : i32
      %swap3A_365 = tpu.memref_slice %arg5[%scan3A_241, %swap3A_364] : memref<4x2560xf32, #tpu.memory_space<vmem>> -> memref<1x2560xf32, #tpu.memory_space<vmem>>
      %swap3A_366 = tpu.memref_squeeze %swap3A_365 : memref<1x2560xf32, #tpu.memory_space<vmem>> -> memref<2560xf32, #tpu.memory_space<vmem>>
      %swap3A_367 = arith.index_cast %mul3A_363 : i32 to index
      %swap3A_368 = tpu.vector_load %swap3A_366[%swap3A_367] {strides = array<i32>} : memref<2560xf32, #tpu.memory_space<vmem>>, vector<16xf32>,
      %swap3A_369 = vector.shape_cast %swap3A_368 : vector<16xf32> to vector<16xf32>
      %swap3A_370 = vector.shape_cast %broadcast_in_dim3A_266 : vector<16xf32> to vector<16xf32>
      tpu.vector_store %swap3A_366[%swap3A_367], %swap3A_370 {strides = array<i32>} : memref<2560xf32, #tpu.memory_space<vmem>>, vector<16xf32>,
      %scan3A_371 = arith.constant 0 : i32
      scf.yield %scan3A_371 : i32
    }
    %scan3A_248 = arith.constant 20 : i32
    %while3A = arith.constant 0 : i32
    %while3A_249 = arith.constant 1 : i32
    %while3A_250 = arith.constant 2 : i32
    %while3A_251 = arith.constant 3 : i32
    %while3A_252 = arith.constant 0 : i32
    %while3A_253 = arith.subi %convert_element_type3A_239, %convert_element_type3A_240 : i32
    %while3A_254 = arith.addi %convert_element_type3A_240, %while3A_253 : i32
    %while3A_255 = arith.constant 1 : i32
    %while3A_256 = arith.divsi %while3A_253, %while3A_255 : i32
    %while3A_257 = arith.muli %while3A_256, %while3A_255 : i32
    %while3A_258 = arith.addi %convert_element_type3A_240, %while3A_257 : i32
    %while3A_259 = arith.constant 1 : i32
    %while3A_260 = scf.for %while3A_263 = %convert_element_type3A_240 to %while3A_258 step %while3A_259 iter_args(%while3A_264 = %while3A_252) -> (i32)  : i32 {
      %get3A_265 = arith.index_cast %while3A_263 : i32 to index
      %get3A_266 = tpu.vector_load %arg4[%get3A_265] {strides = array<i32>} : memref<816xf32, #tpu.memory_space<vmem>>, vector<16xf32>,
      %get3A_267 = vector.shape_cast %get3A_266 : vector<16xf32> to vector<16xf32>
      %slice3A_268 = vector.extract_strided_slice %get3A_267 {offsets = [0], sizes = [1], strides = [1]} : vector<16xf32> to vector<1xf32>
      %squeeze3A_269 = vector.extract %slice3A_268[0] : f32 from vector<1xf32>
      %add3A_270 = arith.constant 256 : i32
      %add3A_271 = arith.addi %add3A_270, %while3A_263 : i32
      %get3A_272 = arith.index_cast %add3A_271 : i32 to index
      %get3A_273 = tpu.vector_load %arg4[%get3A_272] {strides = array<i32>} : memref<816xf32, #tpu.memory_space<vmem>>, vector<16xf32>,
      %get3A_274 = vector.shape_cast %get3A_273 : vector<16xf32> to vector<16xf32>
      %slice3A_275 = vector.extract_strided_slice %get3A_274 {offsets = [0], sizes = [1], strides = [1]} : vector<16xf32> to vector<1xf32>
      %squeeze3A_276 = vector.extract %slice3A_275[0] : f32 from vector<1xf32>
      %broadcast_in_dim3A_277 = vector.broadcast %squeeze3A_269 : f32 to vector<16xf32>
      %broadcast_in_dim3A_278 = vector.broadcast %squeeze3A_276 : f32 to vector<16xf32>
      %sub3A_279 = arith.subf %squeeze3A_269, %convert_element_type3A : f32
      %max3A = arith.constant 0.000000e+00 : f32
      %max3A_280 = arith.maximumf %sub3A_279, %max3A : f32
      %sub3A_281 = arith.subf %squeeze3A_276, %convert_element_type3A : f32
      %min3A_282 = arith.constant 2.559000e+03 : f32
      %min3A_283 = arith.minimumf %sub3A_281, %min3A_282 : f32
      %convert_element_type3A_284 = arith.fptosi %max3A_280 : f32 to i32
      %shift_right_arithmetic3A = arith.constant 4 : i32
      %shift_right_arithmetic3A_285 = arith.shrsi %convert_element_type3A_284, %shift_right_arithmetic3A : i32
      %max3A_286 = arith.constant -1.000000e+00 : f32
      %max3A_287 = arith.maximumf %min3A_283, %max3A_286 : f32
      %convert_element_type3A_288 = arith.fptosi %max3A_287 : f32 to i32
      %shift_right_arithmetic3A_289 = arith.constant 4 : i32
      %shift_right_arithmetic3A_290 = arith.shrsi %convert_element_type3A_288, %shift_right_arithmetic3A_289 : i32
      %add3A_291 = arith.constant 1 : i32
      %add3A_292 = arith.addi %shift_right_arithmetic3A_290, %add3A_291 : i32
      %lt3A_293 = arith.cmpi slt, %shift_right_arithmetic3A_285, %add3A_292 : i32
      %convert_element_type3A_294 = arith.extui %lt3A_293 : i1 to i32
      %cond3A = arith.constant 0 : i32
      %cond3A_295 = arith.cmpi ne, %convert_element_type3A_294, %cond3A : i32
      scf.if %cond3A_295 {
        %sub3A_297 = arith.subf %broadcast_in_dim3A_278, %broadcast_in_dim3A_277 : vector<16xf32>
        %add3A_298 = arith.constant 512 : i32
        %add3A_299 = arith.addi %add3A_298, %while3A_263 : i32
        %get3A_300 = arith.index_cast %add3A_299 : i32 to index
        %get3A_301 = tpu.vector_load %arg4[%get3A_300] {strides = array<i32>} : memref<816xf32, #tpu.memory_space<vmem>>, vector<16xf32>,
        %get3A_302 = vector.shape_cast %get3A_301 : vector<16xf32> to vector<16xf32>
        %slice3A_303 = vector.extract_strided_slice %get3A_302 {offsets = [0], sizes = [1], strides = [1]} : vector<16xf32> to vector<1xf32>
        %squeeze3A_304 = vector.extract %slice3A_303[0] : f32 from vector<1xf32>
        %broadcast_in_dim3A_305 = vector.broadcast %squeeze3A_304 : f32 to vector<16xf32>
        %while3A_306 = arith.constant 0 : i32
        %while3A_307 = arith.subi %add3A_292, %shift_right_arithmetic3A_285 : i32
        %while3A_308 = arith.addi %shift_right_arithmetic3A_285, %while3A_307 : i32
        %while3A_309 = arith.constant 1 : i32
        %while3A_310 = arith.divsi %while3A_307, %while3A_309 : i32
        %while3A_311 = arith.muli %while3A_310, %while3A_309 : i32
        %while3A_312 = arith.addi %shift_right_arithmetic3A_285, %while3A_311 : i32
        %while3A_313 = arith.constant 1 : i32
        %while3A_314 = scf.for %while3A_317 = %shift_right_arithmetic3A_285 to %while3A_312 step %while3A_313 iter_args(%while3A_318 = %while3A_306) -> (i32)  : i32 {
          %mul3A_319 = arith.constant 16 : i32
          %mul3A_320 = arith.muli %while3A_317, %mul3A_319 : i32
          %mul3A_321 = arith.constant 16 : i32
          %mul3A_322 = arith.muli %while3A_317, %mul3A_321 : i32
          %add3A_323 = arith.addi %mul3A_32, %mul3A_322 : i32
          %convert_element_type3A_324 = arith.sitofp %add3A_323 : i32 to f32
          %add3A_325 = vector.broadcast %convert_element_type3A_324 : f32 to vector<16xf32>
          %add3A_326 = arith.addf %add3A_325, %convert_element_type3A_33 : vector<16xf32>
          %get3A_327 = arith.constant 0 : i32
          %get3A_328 = tpu.memref_slice %arg5[%while3A, %get3A_327] : memref<4x2560xf32, #tpu.memory_space<vmem>> -> memref<1x2560xf32, #tpu.memory_space<vmem>>
          %get3A_329 = tpu.memref_squeeze %get3A_328 : memref<1x2560xf32, #tpu.memory_space<vmem>> -> memref<2560xf32, #tpu.memory_space<vmem>>
          %get3A_330 = arith.index_cast %mul3A_320 : i32 to index
          %get3A_331 = tpu.vector_load %get3A_329[%get3A_330] {strides = array<i32>} : memref<2560xf32, #tpu.memory_space<vmem>>, vector<16xf32>,
          %get3A_332 = vector.shape_cast %get3A_331 : vector<16xf32> to vector<16xf32>
          %ge3A = arith.cmpf oge, %add3A_326, %broadcast_in_dim3A_277 : vector<16xf32>
          %le3A = arith.cmpf ole, %add3A_326, %broadcast_in_dim3A_278 : vector<16xf32>
          %and3A_333 = arith.andi %ge3A, %le3A : vector<16xi1>
          %lt3A_334 = arith.cmpf olt, %sub3A_297, %get3A_332 : vector<16xf32>
          %and3A_335 = arith.andi %and3A_333, %lt3A_334 : vector<16xi1>
          %select_n3A_336 = arith.select %and3A_335, %sub3A_297, %get3A_332 : vector<16xi1>, vector<16xf32>
          %swap3A_337 = arith.constant 0 : i32
          %swap3A_338 = tpu.memref_slice %arg5[%while3A, %swap3A_337] : memref<4x2560xf32, #tpu.memory_space<vmem>> -> memref<1x2560xf32, #tpu.memory_space<vmem>>
          %swap3A_339 = tpu.memref_squeeze %swap3A_338 : memref<1x2560xf32, #tpu.memory_space<vmem>> -> memref<2560xf32, #tpu.memory_space<vmem>>
          %swap3A_340 = arith.index_cast %mul3A_320 : i32 to index
          %swap3A_341 = tpu.vector_load %swap3A_339[%swap3A_340] {strides = array<i32>} : memref<2560xf32, #tpu.memory_space<vmem>>, vector<16xf32>,
          %swap3A_342 = vector.shape_cast %swap3A_341 : vector<16xf32> to vector<16xf32>
          %swap3A_343 = vector.shape_cast %select_n3A_336 : vector<16xf32> to vector<16xf32>
          tpu.vector_store %swap3A_339[%swap3A_340], %swap3A_343 {strides = array<i32>} : memref<2560xf32, #tpu.memory_space<vmem>>, vector<16xf32>,
          %get3A_344 = arith.constant 0 : i32
          %get3A_345 = tpu.memref_slice %arg5[%while3A_249, %get3A_344] : memref<4x2560xf32, #tpu.memory_space<vmem>> -> memref<1x2560xf32, #tpu.memory_space<vmem>>
          %get3A_346 = tpu.memref_squeeze %get3A_345 : memref<1x2560xf32, #tpu.memory_space<vmem>> -> memref<2560xf32, #tpu.memory_space<vmem>>
          %get3A_347 = arith.index_cast %mul3A_320 : i32 to index
          %get3A_348 = tpu.vector_load %get3A_346[%get3A_347] {strides = array<i32>} : memref<2560xf32, #tpu.memory_space<vmem>>, vector<16xf32>,
          %get3A_349 = vector.shape_cast %get3A_348 : vector<16xf32> to vector<16xf32>
          %select_n3A_350 = arith.select %and3A_335, %broadcast_in_dim3A_277, %get3A_349 : vector<16xi1>, vector<16xf32>
          %swap3A_351 = arith.constant 0 : i32
          %swap3A_352 = tpu.memref_slice %arg5[%while3A_249, %swap3A_351] : memref<4x2560xf32, #tpu.memory_space<vmem>> -> memref<1x2560xf32, #tpu.memory_space<vmem>>
          %swap3A_353 = tpu.memref_squeeze %swap3A_352 : memref<1x2560xf32, #tpu.memory_space<vmem>> -> memref<2560xf32, #tpu.memory_space<vmem>>
          %swap3A_354 = arith.index_cast %mul3A_320 : i32 to index
          %swap3A_355 = tpu.vector_load %swap3A_353[%swap3A_354] {strides = array<i32>} : memref<2560xf32, #tpu.memory_space<vmem>>, vector<16xf32>,
          %swap3A_356 = vector.shape_cast %swap3A_355 : vector<16xf32> to vector<16xf32>
          %swap3A_357 = vector.shape_cast %select_n3A_350 : vector<16xf32> to vector<16xf32>
          tpu.vector_store %swap3A_353[%swap3A_354], %swap3A_357 {strides = array<i32>} : memref<2560xf32, #tpu.memory_space<vmem>>, vector<16xf32>,
          %get3A_358 = arith.constant 0 : i32
          %get3A_359 = tpu.memref_slice %arg5[%while3A_250, %get3A_358] : memref<4x2560xf32, #tpu.memory_space<vmem>> -> memref<1x2560xf32, #tpu.memory_space<vmem>>
          %get3A_360 = tpu.memref_squeeze %get3A_359 : memref<1x2560xf32, #tpu.memory_space<vmem>> -> memref<2560xf32, #tpu.memory_space<vmem>>
          %get3A_361 = arith.index_cast %mul3A_320 : i32 to index
          %get3A_362 = tpu.vector_load %get3A_360[%get3A_361] {strides = array<i32>} : memref<2560xf32, #tpu.memory_space<vmem>>, vector<16xf32>,
          %get3A_363 = vector.shape_cast %get3A_362 : vector<16xf32> to vector<16xf32>
          %select_n3A_364 = arith.select %and3A_335, %broadcast_in_dim3A_278, %get3A_363 : vector<16xi1>, vector<16xf32>
          %swap3A_365 = arith.constant 0 : i32
          %swap3A_366 = tpu.memref_slice %arg5[%while3A_250, %swap3A_365] : memref<4x2560xf32, #tpu.memory_space<vmem>> -> memref<1x2560xf32, #tpu.memory_space<vmem>>
          %swap3A_367 = tpu.memref_squeeze %swap3A_366 : memref<1x2560xf32, #tpu.memory_space<vmem>> -> memref<2560xf32, #tpu.memory_space<vmem>>
          %swap3A_368 = arith.index_cast %mul3A_320 : i32 to index
          %swap3A_369 = tpu.vector_load %swap3A_367[%swap3A_368] {strides = array<i32>} : memref<2560xf32, #tpu.memory_space<vmem>>, vector<16xf32>,
          %swap3A_370 = vector.shape_cast %swap3A_369 : vector<16xf32> to vector<16xf32>
          %swap3A_371 = vector.shape_cast %select_n3A_364 : vector<16xf32> to vector<16xf32>
          tpu.vector_store %swap3A_367[%swap3A_368], %swap3A_371 {strides = array<i32>} : memref<2560xf32, #tpu.memory_space<vmem>>, vector<16xf32>,
          %get3A_372 = arith.constant 0 : i32
          %get3A_373 = tpu.memref_slice %arg5[%while3A_251, %get3A_372] : memref<4x2560xf32, #tpu.memory_space<vmem>> -> memref<1x2560xf32, #tpu.memory_space<vmem>>
          %get3A_374 = tpu.memref_squeeze %get3A_373 : memref<1x2560xf32, #tpu.memory_space<vmem>> -> memref<2560xf32, #tpu.memory_space<vmem>>
          %get3A_375 = arith.index_cast %mul3A_320 : i32 to index
          %get3A_376 = tpu.vector_load %get3A_374[%get3A_375] {strides = array<i32>} : memref<2560xf32, #tpu.memory_space<vmem>>, vector<16xf32>,
          %get3A_377 = vector.shape_cast %get3A_376 : vector<16xf32> to vector<16xf32>
          %select_n3A_378 = arith.select %and3A_335, %broadcast_in_dim3A_305, %get3A_377 : vector<16xi1>, vector<16xf32>
          %swap3A_379 = arith.constant 0 : i32
          %swap3A_380 = tpu.memref_slice %arg5[%while3A_251, %swap3A_379] : memref<4x2560xf32, #tpu.memory_space<vmem>> -> memref<1x2560xf32, #tpu.memory_space<vmem>>
          %swap3A_381 = tpu.memref_squeeze %swap3A_380 : memref<1x2560xf32, #tpu.memory_space<vmem>> -> memref<2560xf32, #tpu.memory_space<vmem>>
          %swap3A_382 = arith.index_cast %mul3A_320 : i32 to index
          %swap3A_383 = tpu.vector_load %swap3A_381[%swap3A_382] {strides = array<i32>} : memref<2560xf32, #tpu.memory_space<vmem>>, vector<16xf32>,
          %swap3A_384 = vector.shape_cast %swap3A_383 : vector<16xf32> to vector<16xf32>
          %swap3A_385 = vector.shape_cast %select_n3A_378 : vector<16xf32> to vector<16xf32>
          tpu.vector_store %swap3A_381[%swap3A_382], %swap3A_385 {strides = array<i32>} : memref<2560xf32, #tpu.memory_space<vmem>>, vector<16xf32>,
          %while3A_386 = arith.constant 0 : i32
          scf.yield %while3A_386 : i32
        }
        %while3A_315 = arith.constant 1 : i32
        %while3A_316 = scf.for %while3A_317 = %while3A_312 to %while3A_308 step %while3A_315 iter_args(%while3A_318 = %while3A_314) -> (i32)  : i32 {
          %mul3A_319 = arith.constant 16 : i32
          %mul3A_320 = arith.muli %while3A_317, %mul3A_319 : i32
          %mul3A_321 = arith.constant 16 : i32
          %mul3A_322 = arith.muli %while3A_317, %mul3A_321 : i32
          %add3A_323 = arith.addi %mul3A_32, %mul3A_322 : i32
          %convert_element_type3A_324 = arith.sitofp %add3A_323 : i32 to f32
          %add3A_325 = vector.broadcast %convert_element_type3A_324 : f32 to vector<16xf32>
          %add3A_326 = arith.addf %add3A_325, %convert_element_type3A_33 : vector<16xf32>
          %get3A_327 = arith.constant 0 : i32
          %get3A_328 = tpu.memref_slice %arg5[%while3A, %get3A_327] : memref<4x2560xf32, #tpu.memory_space<vmem>> -> memref<1x2560xf32, #tpu.memory_space<vmem>>
          %get3A_329 = tpu.memref_squeeze %get3A_328 : memref<1x2560xf32, #tpu.memory_space<vmem>> -> memref<2560xf32, #tpu.memory_space<vmem>>
          %get3A_330 = arith.index_cast %mul3A_320 : i32 to index
          %get3A_331 = tpu.vector_load %get3A_329[%get3A_330] {strides = array<i32>} : memref<2560xf32, #tpu.memory_space<vmem>>, vector<16xf32>,
          %get3A_332 = vector.shape_cast %get3A_331 : vector<16xf32> to vector<16xf32>
          %ge3A = arith.cmpf oge, %add3A_326, %broadcast_in_dim3A_277 : vector<16xf32>
          %le3A = arith.cmpf ole, %add3A_326, %broadcast_in_dim3A_278 : vector<16xf32>
          %and3A_333 = arith.andi %ge3A, %le3A : vector<16xi1>
          %lt3A_334 = arith.cmpf olt, %sub3A_297, %get3A_332 : vector<16xf32>
          %and3A_335 = arith.andi %and3A_333, %lt3A_334 : vector<16xi1>
          %select_n3A_336 = arith.select %and3A_335, %sub3A_297, %get3A_332 : vector<16xi1>, vector<16xf32>
          %swap3A_337 = arith.constant 0 : i32
          %swap3A_338 = tpu.memref_slice %arg5[%while3A, %swap3A_337] : memref<4x2560xf32, #tpu.memory_space<vmem>> -> memref<1x2560xf32, #tpu.memory_space<vmem>>
          %swap3A_339 = tpu.memref_squeeze %swap3A_338 : memref<1x2560xf32, #tpu.memory_space<vmem>> -> memref<2560xf32, #tpu.memory_space<vmem>>
          %swap3A_340 = arith.index_cast %mul3A_320 : i32 to index
          %swap3A_341 = tpu.vector_load %swap3A_339[%swap3A_340] {strides = array<i32>} : memref<2560xf32, #tpu.memory_space<vmem>>, vector<16xf32>,
          %swap3A_342 = vector.shape_cast %swap3A_341 : vector<16xf32> to vector<16xf32>
          %swap3A_343 = vector.shape_cast %select_n3A_336 : vector<16xf32> to vector<16xf32>
          tpu.vector_store %swap3A_339[%swap3A_340], %swap3A_343 {strides = array<i32>} : memref<2560xf32, #tpu.memory_space<vmem>>, vector<16xf32>,
          %get3A_344 = arith.constant 0 : i32
          %get3A_345 = tpu.memref_slice %arg5[%while3A_249, %get3A_344] : memref<4x2560xf32, #tpu.memory_space<vmem>> -> memref<1x2560xf32, #tpu.memory_space<vmem>>
          %get3A_346 = tpu.memref_squeeze %get3A_345 : memref<1x2560xf32, #tpu.memory_space<vmem>> -> memref<2560xf32, #tpu.memory_space<vmem>>
          %get3A_347 = arith.index_cast %mul3A_320 : i32 to index
          %get3A_348 = tpu.vector_load %get3A_346[%get3A_347] {strides = array<i32>} : memref<2560xf32, #tpu.memory_space<vmem>>, vector<16xf32>,
          %get3A_349 = vector.shape_cast %get3A_348 : vector<16xf32> to vector<16xf32>
          %select_n3A_350 = arith.select %and3A_335, %broadcast_in_dim3A_277, %get3A_349 : vector<16xi1>, vector<16xf32>
          %swap3A_351 = arith.constant 0 : i32
          %swap3A_352 = tpu.memref_slice %arg5[%while3A_249, %swap3A_351] : memref<4x2560xf32, #tpu.memory_space<vmem>> -> memref<1x2560xf32, #tpu.memory_space<vmem>>
          %swap3A_353 = tpu.memref_squeeze %swap3A_352 : memref<1x2560xf32, #tpu.memory_space<vmem>> -> memref<2560xf32, #tpu.memory_space<vmem>>
          %swap3A_354 = arith.index_cast %mul3A_320 : i32 to index
          %swap3A_355 = tpu.vector_load %swap3A_353[%swap3A_354] {strides = array<i32>} : memref<2560xf32, #tpu.memory_space<vmem>>, vector<16xf32>,
          %swap3A_356 = vector.shape_cast %swap3A_355 : vector<16xf32> to vector<16xf32>
          %swap3A_357 = vector.shape_cast %select_n3A_350 : vector<16xf32> to vector<16xf32>
          tpu.vector_store %swap3A_353[%swap3A_354], %swap3A_357 {strides = array<i32>} : memref<2560xf32, #tpu.memory_space<vmem>>, vector<16xf32>,
          %get3A_358 = arith.constant 0 : i32
          %get3A_359 = tpu.memref_slice %arg5[%while3A_250, %get3A_358] : memref<4x2560xf32, #tpu.memory_space<vmem>> -> memref<1x2560xf32, #tpu.memory_space<vmem>>
          %get3A_360 = tpu.memref_squeeze %get3A_359 : memref<1x2560xf32, #tpu.memory_space<vmem>> -> memref<2560xf32, #tpu.memory_space<vmem>>
          %get3A_361 = arith.index_cast %mul3A_320 : i32 to index
          %get3A_362 = tpu.vector_load %get3A_360[%get3A_361] {strides = array<i32>} : memref<2560xf32, #tpu.memory_space<vmem>>, vector<16xf32>,
          %get3A_363 = vector.shape_cast %get3A_362 : vector<16xf32> to vector<16xf32>
          %select_n3A_364 = arith.select %and3A_335, %broadcast_in_dim3A_278, %get3A_363 : vector<16xi1>, vector<16xf32>
          %swap3A_365 = arith.constant 0 : i32
          %swap3A_366 = tpu.memref_slice %arg5[%while3A_250, %swap3A_365] : memref<4x2560xf32, #tpu.memory_space<vmem>> -> memref<1x2560xf32, #tpu.memory_space<vmem>>
          %swap3A_367 = tpu.memref_squeeze %swap3A_366 : memref<1x2560xf32, #tpu.memory_space<vmem>> -> memref<2560xf32, #tpu.memory_space<vmem>>
          %swap3A_368 = arith.index_cast %mul3A_320 : i32 to index
          %swap3A_369 = tpu.vector_load %swap3A_367[%swap3A_368] {strides = array<i32>} : memref<2560xf32, #tpu.memory_space<vmem>>, vector<16xf32>,
          %swap3A_370 = vector.shape_cast %swap3A_369 : vector<16xf32> to vector<16xf32>
          %swap3A_371 = vector.shape_cast %select_n3A_364 : vector<16xf32> to vector<16xf32>
          tpu.vector_store %swap3A_367[%swap3A_368], %swap3A_371 {strides = array<i32>} : memref<2560xf32, #tpu.memory_space<vmem>>, vector<16xf32>,
          %get3A_372 = arith.constant 0 : i32
          %get3A_373 = tpu.memref_slice %arg5[%while3A_251, %get3A_372] : memref<4x2560xf32, #tpu.memory_space<vmem>> -> memref<1x2560xf32, #tpu.memory_space<vmem>>
          %get3A_374 = tpu.memref_squeeze %get3A_373 : memref<1x2560xf32, #tpu.memory_space<vmem>> -> memref<2560xf32, #tpu.memory_space<vmem>>
          %get3A_375 = arith.index_cast %mul3A_320 : i32 to index
          %get3A_376 = tpu.vector_load %get3A_374[%get3A_375] {strides = array<i32>} : memref<2560xf32, #tpu.memory_space<vmem>>, vector<16xf32>,
          %get3A_377 = vector.shape_cast %get3A_376 : vector<16xf32> to vector<16xf32>
          %select_n3A_378 = arith.select %and3A_335, %broadcast_in_dim3A_305, %get3A_377 : vector<16xi1>, vector<16xf32>
          %swap3A_379 = arith.constant 0 : i32
          %swap3A_380 = tpu.memref_slice %arg5[%while3A_251, %swap3A_379] : memref<4x2560xf32, #tpu.memory_space<vmem>> -> memref<1x2560xf32, #tpu.memory_space<vmem>>
          %swap3A_381 = tpu.memref_squeeze %swap3A_380 : memref<1x2560xf32, #tpu.memory_space<vmem>> -> memref<2560xf32, #tpu.memory_space<vmem>>
          %swap3A_382 = arith.index_cast %mul3A_320 : i32 to index
          %swap3A_383 = tpu.vector_load %swap3A_381[%swap3A_382] {strides = array<i32>} : memref<2560xf32, #tpu.memory_space<vmem>>, vector<16xf32>,
          %swap3A_384 = vector.shape_cast %swap3A_383 : vector<16xf32> to vector<16xf32>
          %swap3A_385 = vector.shape_cast %select_n3A_378 : vector<16xf32> to vector<16xf32>
          tpu.vector_store %swap3A_381[%swap3A_382], %swap3A_385 {strides = array<i32>} : memref<2560xf32, #tpu.memory_space<vmem>>, vector<16xf32>,
          %while3A_386 = arith.constant 0 : i32
          scf.yield %while3A_386 : i32
        }
      } else {
      }
      %while3A_296 = arith.constant 0 : i32
      scf.yield %while3A_296 : i32
    }
    %while3A_261 = arith.constant 1 : i32
    %while3A_262 = scf.for %while3A_263 = %while3A_258 to %while3A_254 step %while3A_261 iter_args(%while3A_264 = %while3A_260) -> (i32)  : i32 {
      %get3A_265 = arith.index_cast %while3A_263 : i32 to index
      %get3A_266 = tpu.vector_load %arg4[%get3A_265] {strides = array<i32>} : memref<816xf32, #tpu.memory_space<vmem>>, vector<16xf32>,
      %get3A_267 = vector.shape_cast %get3A_266 : vector<16xf32> to vector<16xf32>
      %slice3A_268 = vector.extract_strided_slice %get3A_267 {offsets = [0], sizes = [1], strides = [1]} : vector<16xf32> to vector<1xf32>
      %squeeze3A_269 = vector.extract %slice3A_268[0] : f32 from vector<1xf32>
      %add3A_270 = arith.constant 256 : i32
      %add3A_271 = arith.addi %add3A_270, %while3A_263 : i32
      %get3A_272 = arith.index_cast %add3A_271 : i32 to index
      %get3A_273 = tpu.vector_load %arg4[%get3A_272] {strides = array<i32>} : memref<816xf32, #tpu.memory_space<vmem>>, vector<16xf32>,
      %get3A_274 = vector.shape_cast %get3A_273 : vector<16xf32> to vector<16xf32>
      %slice3A_275 = vector.extract_strided_slice %get3A_274 {offsets = [0], sizes = [1], strides = [1]} : vector<16xf32> to vector<1xf32>
      %squeeze3A_276 = vector.extract %slice3A_275[0] : f32 from vector<1xf32>
      %broadcast_in_dim3A_277 = vector.broadcast %squeeze3A_269 : f32 to vector<16xf32>
      %broadcast_in_dim3A_278 = vector.broadcast %squeeze3A_276 : f32 to vector<16xf32>
      %sub3A_279 = arith.subf %squeeze3A_269, %convert_element_type3A : f32
      %max3A = arith.constant 0.000000e+00 : f32
      %max3A_280 = arith.maximumf %sub3A_279, %max3A : f32
      %sub3A_281 = arith.subf %squeeze3A_276, %convert_element_type3A : f32
      %min3A_282 = arith.constant 2.559000e+03 : f32
      %min3A_283 = arith.minimumf %sub3A_281, %min3A_282 : f32
      %convert_element_type3A_284 = arith.fptosi %max3A_280 : f32 to i32
      %shift_right_arithmetic3A = arith.constant 4 : i32
      %shift_right_arithmetic3A_285 = arith.shrsi %convert_element_type3A_284, %shift_right_arithmetic3A : i32
      %max3A_286 = arith.constant -1.000000e+00 : f32
      %max3A_287 = arith.maximumf %min3A_283, %max3A_286 : f32
      %convert_element_type3A_288 = arith.fptosi %max3A_287 : f32 to i32
      %shift_right_arithmetic3A_289 = arith.constant 4 : i32
      %shift_right_arithmetic3A_290 = arith.shrsi %convert_element_type3A_288, %shift_right_arithmetic3A_289 : i32
      %add3A_291 = arith.constant 1 : i32
      %add3A_292 = arith.addi %shift_right_arithmetic3A_290, %add3A_291 : i32
      %lt3A_293 = arith.cmpi slt, %shift_right_arithmetic3A_285, %add3A_292 : i32
      %convert_element_type3A_294 = arith.extui %lt3A_293 : i1 to i32
      %cond3A = arith.constant 0 : i32
      %cond3A_295 = arith.cmpi ne, %convert_element_type3A_294, %cond3A : i32
      scf.if %cond3A_295 {
        %sub3A_297 = arith.subf %broadcast_in_dim3A_278, %broadcast_in_dim3A_277 : vector<16xf32>
        %add3A_298 = arith.constant 512 : i32
        %add3A_299 = arith.addi %add3A_298, %while3A_263 : i32
        %get3A_300 = arith.index_cast %add3A_299 : i32 to index
        %get3A_301 = tpu.vector_load %arg4[%get3A_300] {strides = array<i32>} : memref<816xf32, #tpu.memory_space<vmem>>, vector<16xf32>,
        %get3A_302 = vector.shape_cast %get3A_301 : vector<16xf32> to vector<16xf32>
        %slice3A_303 = vector.extract_strided_slice %get3A_302 {offsets = [0], sizes = [1], strides = [1]} : vector<16xf32> to vector<1xf32>
        %squeeze3A_304 = vector.extract %slice3A_303[0] : f32 from vector<1xf32>
        %broadcast_in_dim3A_305 = vector.broadcast %squeeze3A_304 : f32 to vector<16xf32>
        %while3A_306 = arith.constant 0 : i32
        %while3A_307 = arith.subi %add3A_292, %shift_right_arithmetic3A_285 : i32
        %while3A_308 = arith.addi %shift_right_arithmetic3A_285, %while3A_307 : i32
        %while3A_309 = arith.constant 1 : i32
        %while3A_310 = arith.divsi %while3A_307, %while3A_309 : i32
        %while3A_311 = arith.muli %while3A_310, %while3A_309 : i32
        %while3A_312 = arith.addi %shift_right_arithmetic3A_285, %while3A_311 : i32
        %while3A_313 = arith.constant 1 : i32
        %while3A_314 = scf.for %while3A_317 = %shift_right_arithmetic3A_285 to %while3A_312 step %while3A_313 iter_args(%while3A_318 = %while3A_306) -> (i32)  : i32 {
          %mul3A_319 = arith.constant 16 : i32
          %mul3A_320 = arith.muli %while3A_317, %mul3A_319 : i32
          %mul3A_321 = arith.constant 16 : i32
          %mul3A_322 = arith.muli %while3A_317, %mul3A_321 : i32
          %add3A_323 = arith.addi %mul3A_32, %mul3A_322 : i32
          %convert_element_type3A_324 = arith.sitofp %add3A_323 : i32 to f32
          %add3A_325 = vector.broadcast %convert_element_type3A_324 : f32 to vector<16xf32>
          %add3A_326 = arith.addf %add3A_325, %convert_element_type3A_33 : vector<16xf32>
          %get3A_327 = arith.constant 0 : i32
          %get3A_328 = tpu.memref_slice %arg5[%while3A, %get3A_327] : memref<4x2560xf32, #tpu.memory_space<vmem>> -> memref<1x2560xf32, #tpu.memory_space<vmem>>
          %get3A_329 = tpu.memref_squeeze %get3A_328 : memref<1x2560xf32, #tpu.memory_space<vmem>> -> memref<2560xf32, #tpu.memory_space<vmem>>
          %get3A_330 = arith.index_cast %mul3A_320 : i32 to index
          %get3A_331 = tpu.vector_load %get3A_329[%get3A_330] {strides = array<i32>} : memref<2560xf32, #tpu.memory_space<vmem>>, vector<16xf32>,
          %get3A_332 = vector.shape_cast %get3A_331 : vector<16xf32> to vector<16xf32>
          %ge3A = arith.cmpf oge, %add3A_326, %broadcast_in_dim3A_277 : vector<16xf32>
          %le3A = arith.cmpf ole, %add3A_326, %broadcast_in_dim3A_278 : vector<16xf32>
          %and3A_333 = arith.andi %ge3A, %le3A : vector<16xi1>
          %lt3A_334 = arith.cmpf olt, %sub3A_297, %get3A_332 : vector<16xf32>
          %and3A_335 = arith.andi %and3A_333, %lt3A_334 : vector<16xi1>
          %select_n3A_336 = arith.select %and3A_335, %sub3A_297, %get3A_332 : vector<16xi1>, vector<16xf32>
          %swap3A_337 = arith.constant 0 : i32
          %swap3A_338 = tpu.memref_slice %arg5[%while3A, %swap3A_337] : memref<4x2560xf32, #tpu.memory_space<vmem>> -> memref<1x2560xf32, #tpu.memory_space<vmem>>
          %swap3A_339 = tpu.memref_squeeze %swap3A_338 : memref<1x2560xf32, #tpu.memory_space<vmem>> -> memref<2560xf32, #tpu.memory_space<vmem>>
          %swap3A_340 = arith.index_cast %mul3A_320 : i32 to index
          %swap3A_341 = tpu.vector_load %swap3A_339[%swap3A_340] {strides = array<i32>} : memref<2560xf32, #tpu.memory_space<vmem>>, vector<16xf32>,
          %swap3A_342 = vector.shape_cast %swap3A_341 : vector<16xf32> to vector<16xf32>
          %swap3A_343 = vector.shape_cast %select_n3A_336 : vector<16xf32> to vector<16xf32>
          tpu.vector_store %swap3A_339[%swap3A_340], %swap3A_343 {strides = array<i32>} : memref<2560xf32, #tpu.memory_space<vmem>>, vector<16xf32>,
          %get3A_344 = arith.constant 0 : i32
          %get3A_345 = tpu.memref_slice %arg5[%while3A_249, %get3A_344] : memref<4x2560xf32, #tpu.memory_space<vmem>> -> memref<1x2560xf32, #tpu.memory_space<vmem>>
          %get3A_346 = tpu.memref_squeeze %get3A_345 : memref<1x2560xf32, #tpu.memory_space<vmem>> -> memref<2560xf32, #tpu.memory_space<vmem>>
          %get3A_347 = arith.index_cast %mul3A_320 : i32 to index
          %get3A_348 = tpu.vector_load %get3A_346[%get3A_347] {strides = array<i32>} : memref<2560xf32, #tpu.memory_space<vmem>>, vector<16xf32>,
          %get3A_349 = vector.shape_cast %get3A_348 : vector<16xf32> to vector<16xf32>
          %select_n3A_350 = arith.select %and3A_335, %broadcast_in_dim3A_277, %get3A_349 : vector<16xi1>, vector<16xf32>
          %swap3A_351 = arith.constant 0 : i32
          %swap3A_352 = tpu.memref_slice %arg5[%while3A_249, %swap3A_351] : memref<4x2560xf32, #tpu.memory_space<vmem>> -> memref<1x2560xf32, #tpu.memory_space<vmem>>
          %swap3A_353 = tpu.memref_squeeze %swap3A_352 : memref<1x2560xf32, #tpu.memory_space<vmem>> -> memref<2560xf32, #tpu.memory_space<vmem>>
          %swap3A_354 = arith.index_cast %mul3A_320 : i32 to index
          %swap3A_355 = tpu.vector_load %swap3A_353[%swap3A_354] {strides = array<i32>} : memref<2560xf32, #tpu.memory_space<vmem>>, vector<16xf32>,
          %swap3A_356 = vector.shape_cast %swap3A_355 : vector<16xf32> to vector<16xf32>
          %swap3A_357 = vector.shape_cast %select_n3A_350 : vector<16xf32> to vector<16xf32>
          tpu.vector_store %swap3A_353[%swap3A_354], %swap3A_357 {strides = array<i32>} : memref<2560xf32, #tpu.memory_space<vmem>>, vector<16xf32>,
          %get3A_358 = arith.constant 0 : i32
          %get3A_359 = tpu.memref_slice %arg5[%while3A_250, %get3A_358] : memref<4x2560xf32, #tpu.memory_space<vmem>> -> memref<1x2560xf32, #tpu.memory_space<vmem>>
          %get3A_360 = tpu.memref_squeeze %get3A_359 : memref<1x2560xf32, #tpu.memory_space<vmem>> -> memref<2560xf32, #tpu.memory_space<vmem>>
          %get3A_361 = arith.index_cast %mul3A_320 : i32 to index
          %get3A_362 = tpu.vector_load %get3A_360[%get3A_361] {strides = array<i32>} : memref<2560xf32, #tpu.memory_space<vmem>>, vector<16xf32>,
          %get3A_363 = vector.shape_cast %get3A_362 : vector<16xf32> to vector<16xf32>
          %select_n3A_364 = arith.select %and3A_335, %broadcast_in_dim3A_278, %get3A_363 : vector<16xi1>, vector<16xf32>
          %swap3A_365 = arith.constant 0 : i32
          %swap3A_366 = tpu.memref_slice %arg5[%while3A_250, %swap3A_365] : memref<4x2560xf32, #tpu.memory_space<vmem>> -> memref<1x2560xf32, #tpu.memory_space<vmem>>
          %swap3A_367 = tpu.memref_squeeze %swap3A_366 : memref<1x2560xf32, #tpu.memory_space<vmem>> -> memref<2560xf32, #tpu.memory_space<vmem>>
          %swap3A_368 = arith.index_cast %mul3A_320 : i32 to index
          %swap3A_369 = tpu.vector_load %swap3A_367[%swap3A_368] {strides = array<i32>} : memref<2560xf32, #tpu.memory_space<vmem>>, vector<16xf32>,
          %swap3A_370 = vector.shape_cast %swap3A_369 : vector<16xf32> to vector<16xf32>
          %swap3A_371 = vector.shape_cast %select_n3A_364 : vector<16xf32> to vector<16xf32>
          tpu.vector_store %swap3A_367[%swap3A_368], %swap3A_371 {strides = array<i32>} : memref<2560xf32, #tpu.memory_space<vmem>>, vector<16xf32>,
          %get3A_372 = arith.constant 0 : i32
          %get3A_373 = tpu.memref_slice %arg5[%while3A_251, %get3A_372] : memref<4x2560xf32, #tpu.memory_space<vmem>> -> memref<1x2560xf32, #tpu.memory_space<vmem>>
          %get3A_374 = tpu.memref_squeeze %get3A_373 : memref<1x2560xf32, #tpu.memory_space<vmem>> -> memref<2560xf32, #tpu.memory_space<vmem>>
          %get3A_375 = arith.index_cast %mul3A_320 : i32 to index
          %get3A_376 = tpu.vector_load %get3A_374[%get3A_375] {strides = array<i32>} : memref<2560xf32, #tpu.memory_space<vmem>>, vector<16xf32>,
          %get3A_377 = vector.shape_cast %get3A_376 : vector<16xf32> to vector<16xf32>
          %select_n3A_378 = arith.select %and3A_335, %broadcast_in_dim3A_305, %get3A_377 : vector<16xi1>, vector<16xf32>
          %swap3A_379 = arith.constant 0 : i32
          %swap3A_380 = tpu.memref_slice %arg5[%while3A_251, %swap3A_379] : memref<4x2560xf32, #tpu.memory_space<vmem>> -> memref<1x2560xf32, #tpu.memory_space<vmem>>
          %swap3A_381 = tpu.memref_squeeze %swap3A_380 : memref<1x2560xf32, #tpu.memory_space<vmem>> -> memref<2560xf32, #tpu.memory_space<vmem>>
          %swap3A_382 = arith.index_cast %mul3A_320 : i32 to index
          %swap3A_383 = tpu.vector_load %swap3A_381[%swap3A_382] {strides = array<i32>} : memref<2560xf32, #tpu.memory_space<vmem>>, vector<16xf32>,
          %swap3A_384 = vector.shape_cast %swap3A_383 : vector<16xf32> to vector<16xf32>
          %swap3A_385 = vector.shape_cast %select_n3A_378 : vector<16xf32> to vector<16xf32>
          tpu.vector_store %swap3A_381[%swap3A_382], %swap3A_385 {strides = array<i32>} : memref<2560xf32, #tpu.memory_space<vmem>>, vector<16xf32>,
          %while3A_386 = arith.constant 0 : i32
          scf.yield %while3A_386 : i32
        }
        %while3A_315 = arith.constant 1 : i32
        %while3A_316 = scf.for %while3A_317 = %while3A_312 to %while3A_308 step %while3A_315 iter_args(%while3A_318 = %while3A_314) -> (i32)  : i32 {
          %mul3A_319 = arith.constant 16 : i32
          %mul3A_320 = arith.muli %while3A_317, %mul3A_319 : i32
          %mul3A_321 = arith.constant 16 : i32
          %mul3A_322 = arith.muli %while3A_317, %mul3A_321 : i32
          %add3A_323 = arith.addi %mul3A_32, %mul3A_322 : i32
          %convert_element_type3A_324 = arith.sitofp %add3A_323 : i32 to f32
          %add3A_325 = vector.broadcast %convert_element_type3A_324 : f32 to vector<16xf32>
          %add3A_326 = arith.addf %add3A_325, %convert_element_type3A_33 : vector<16xf32>
          %get3A_327 = arith.constant 0 : i32
          %get3A_328 = tpu.memref_slice %arg5[%while3A, %get3A_327] : memref<4x2560xf32, #tpu.memory_space<vmem>> -> memref<1x2560xf32, #tpu.memory_space<vmem>>
          %get3A_329 = tpu.memref_squeeze %get3A_328 : memref<1x2560xf32, #tpu.memory_space<vmem>> -> memref<2560xf32, #tpu.memory_space<vmem>>
          %get3A_330 = arith.index_cast %mul3A_320 : i32 to index
          %get3A_331 = tpu.vector_load %get3A_329[%get3A_330] {strides = array<i32>} : memref<2560xf32, #tpu.memory_space<vmem>>, vector<16xf32>,
          %get3A_332 = vector.shape_cast %get3A_331 : vector<16xf32> to vector<16xf32>
          %ge3A = arith.cmpf oge, %add3A_326, %broadcast_in_dim3A_277 : vector<16xf32>
          %le3A = arith.cmpf ole, %add3A_326, %broadcast_in_dim3A_278 : vector<16xf32>
          %and3A_333 = arith.andi %ge3A, %le3A : vector<16xi1>
          %lt3A_334 = arith.cmpf olt, %sub3A_297, %get3A_332 : vector<16xf32>
          %and3A_335 = arith.andi %and3A_333, %lt3A_334 : vector<16xi1>
          %select_n3A_336 = arith.select %and3A_335, %sub3A_297, %get3A_332 : vector<16xi1>, vector<16xf32>
          %swap3A_337 = arith.constant 0 : i32
          %swap3A_338 = tpu.memref_slice %arg5[%while3A, %swap3A_337] : memref<4x2560xf32, #tpu.memory_space<vmem>> -> memref<1x2560xf32, #tpu.memory_space<vmem>>
          %swap3A_339 = tpu.memref_squeeze %swap3A_338 : memref<1x2560xf32, #tpu.memory_space<vmem>> -> memref<2560xf32, #tpu.memory_space<vmem>>
          %swap3A_340 = arith.index_cast %mul3A_320 : i32 to index
          %swap3A_341 = tpu.vector_load %swap3A_339[%swap3A_340] {strides = array<i32>} : memref<2560xf32, #tpu.memory_space<vmem>>, vector<16xf32>,
          %swap3A_342 = vector.shape_cast %swap3A_341 : vector<16xf32> to vector<16xf32>
          %swap3A_343 = vector.shape_cast %select_n3A_336 : vector<16xf32> to vector<16xf32>
          tpu.vector_store %swap3A_339[%swap3A_340], %swap3A_343 {strides = array<i32>} : memref<2560xf32, #tpu.memory_space<vmem>>, vector<16xf32>,
          %get3A_344 = arith.constant 0 : i32
          %get3A_345 = tpu.memref_slice %arg5[%while3A_249, %get3A_344] : memref<4x2560xf32, #tpu.memory_space<vmem>> -> memref<1x2560xf32, #tpu.memory_space<vmem>>
          %get3A_346 = tpu.memref_squeeze %get3A_345 : memref<1x2560xf32, #tpu.memory_space<vmem>> -> memref<2560xf32, #tpu.memory_space<vmem>>
          %get3A_347 = arith.index_cast %mul3A_320 : i32 to index
          %get3A_348 = tpu.vector_load %get3A_346[%get3A_347] {strides = array<i32>} : memref<2560xf32, #tpu.memory_space<vmem>>, vector<16xf32>,
          %get3A_349 = vector.shape_cast %get3A_348 : vector<16xf32> to vector<16xf32>
          %select_n3A_350 = arith.select %and3A_335, %broadcast_in_dim3A_277, %get3A_349 : vector<16xi1>, vector<16xf32>
          %swap3A_351 = arith.constant 0 : i32
          %swap3A_352 = tpu.memref_slice %arg5[%while3A_249, %swap3A_351] : memref<4x2560xf32, #tpu.memory_space<vmem>> -> memref<1x2560xf32, #tpu.memory_space<vmem>>
          %swap3A_353 = tpu.memref_squeeze %swap3A_352 : memref<1x2560xf32, #tpu.memory_space<vmem>> -> memref<2560xf32, #tpu.memory_space<vmem>>
          %swap3A_354 = arith.index_cast %mul3A_320 : i32 to index
          %swap3A_355 = tpu.vector_load %swap3A_353[%swap3A_354] {strides = array<i32>} : memref<2560xf32, #tpu.memory_space<vmem>>, vector<16xf32>,
          %swap3A_356 = vector.shape_cast %swap3A_355 : vector<16xf32> to vector<16xf32>
          %swap3A_357 = vector.shape_cast %select_n3A_350 : vector<16xf32> to vector<16xf32>
          tpu.vector_store %swap3A_353[%swap3A_354], %swap3A_357 {strides = array<i32>} : memref<2560xf32, #tpu.memory_space<vmem>>, vector<16xf32>,
          %get3A_358 = arith.constant 0 : i32
          %get3A_359 = tpu.memref_slice %arg5[%while3A_250, %get3A_358] : memref<4x2560xf32, #tpu.memory_space<vmem>> -> memref<1x2560xf32, #tpu.memory_space<vmem>>
          %get3A_360 = tpu.memref_squeeze %get3A_359 : memref<1x2560xf32, #tpu.memory_space<vmem>> -> memref<2560xf32, #tpu.memory_space<vmem>>
          %get3A_361 = arith.index_cast %mul3A_320 : i32 to index
          %get3A_362 = tpu.vector_load %get3A_360[%get3A_361] {strides = array<i32>} : memref<2560xf32, #tpu.memory_space<vmem>>, vector<16xf32>,
          %get3A_363 = vector.shape_cast %get3A_362 : vector<16xf32> to vector<16xf32>
          %select_n3A_364 = arith.select %and3A_335, %broadcast_in_dim3A_278, %get3A_363 : vector<16xi1>, vector<16xf32>
          %swap3A_365 = arith.constant 0 : i32
          %swap3A_366 = tpu.memref_slice %arg5[%while3A_250, %swap3A_365] : memref<4x2560xf32, #tpu.memory_space<vmem>> -> memref<1x2560xf32, #tpu.memory_space<vmem>>
          %swap3A_367 = tpu.memref_squeeze %swap3A_366 : memref<1x2560xf32, #tpu.memory_space<vmem>> -> memref<2560xf32, #tpu.memory_space<vmem>>
          %swap3A_368 = arith.index_cast %mul3A_320 : i32 to index
          %swap3A_369 = tpu.vector_load %swap3A_367[%swap3A_368] {strides = array<i32>} : memref<2560xf32, #tpu.memory_space<vmem>>, vector<16xf32>,
          %swap3A_370 = vector.shape_cast %swap3A_369 : vector<16xf32> to vector<16xf32>
          %swap3A_371 = vector.shape_cast %select_n3A_364 : vector<16xf32> to vector<16xf32>
          tpu.vector_store %swap3A_367[%swap3A_368], %swap3A_371 {strides = array<i32>} : memref<2560xf32, #tpu.memory_space<vmem>>, vector<16xf32>,
          %get3A_372 = arith.constant 0 : i32
          %get3A_373 = tpu.memref_slice %arg5[%while3A_251, %get3A_372] : memref<4x2560xf32, #tpu.memory_space<vmem>> -> memref<1x2560xf32, #tpu.memory_space<vmem>>
          %get3A_374 = tpu.memref_squeeze %get3A_373 : memref<1x2560xf32, #tpu.memory_space<vmem>> -> memref<2560xf32, #tpu.memory_space<vmem>>
          %get3A_375 = arith.index_cast %mul3A_320 : i32 to index
          %get3A_376 = tpu.vector_load %get3A_374[%get3A_375] {strides = array<i32>} : memref<2560xf32, #tpu.memory_space<vmem>>, vector<16xf32>,
          %get3A_377 = vector.shape_cast %get3A_376 : vector<16xf32> to vector<16xf32>
          %select_n3A_378 = arith.select %and3A_335, %broadcast_in_dim3A_305, %get3A_377 : vector<16xi1>, vector<16xf32>
          %swap3A_379 = arith.constant 0 : i32
          %swap3A_380 = tpu.memref_slice %arg5[%while3A_251, %swap3A_379] : memref<4x2560xf32, #tpu.memory_space<vmem>> -> memref<1x2560xf32, #tpu.memory_space<vmem>>
          %swap3A_381 = tpu.memref_squeeze %swap3A_380 : memref<1x2560xf32, #tpu.memory_space<vmem>> -> memref<2560xf32, #tpu.memory_space<vmem>>
          %swap3A_382 = arith.index_cast %mul3A_320 : i32 to index
          %swap3A_383 = tpu.vector_load %swap3A_381[%swap3A_382] {strides = array<i32>} : memref<2560xf32, #tpu.memory_space<vmem>>, vector<16xf32>,
          %swap3A_384 = vector.shape_cast %swap3A_383 : vector<16xf32> to vector<16xf32>
          %swap3A_385 = vector.shape_cast %select_n3A_378 : vector<16xf32> to vector<16xf32>
          tpu.vector_store %swap3A_381[%swap3A_382], %swap3A_385 {strides = array<i32>} : memref<2560xf32, #tpu.memory_space<vmem>>, vector<16xf32>,
          %while3A_386 = arith.constant 0 : i32
          scf.yield %while3A_386 : i32
        }
      } else {
      }
      %while3A_296 = arith.constant 0 : i32
      scf.yield %while3A_296 : i32
    }
    "tpu.region"() ({
      %run_scoped3A = tpu.sem_alloc : memref<!tpu.dma_semaphore, #tpu.memory_space<semaphore_mem>>
      %dma_start3A = arith.constant 0 : i32
      %dma_start3A_263 = tpu.memref_slice %arg3[%select_n3A, %dma_start3A, %mul3A_32] : memref<4x4x20480xf32, #tpu.memory_space<hbm>> -> memref<1x4x2560xf32, #tpu.memory_space<hbm>>
      %dma_start3A_264 = tpu.memref_squeeze %dma_start3A_263 : memref<1x4x2560xf32, #tpu.memory_space<hbm>> -> memref<4x2560xf32, #tpu.memory_space<hbm>>
      %dma_start3A_265 = arith.constant 0 : i32
      %dma_start3A_266 = tpu.memref_slice %arg3[%select_n3A, %dma_start3A_265, %mul3A_32] : memref<4x4x20480xf32, #tpu.memory_space<hbm>> -> memref<1x4x2560xf32, #tpu.memory_space<hbm>>
      %dma_start3A_267 = tpu.memref_squeeze %dma_start3A_266 : memref<1x4x2560xf32, #tpu.memory_space<hbm>> -> memref<4x2560xf32, #tpu.memory_space<hbm>>
      tpu.enqueue_dma source(%arg5 : memref<4x2560xf32, #tpu.memory_space<vmem>>) target(%dma_start3A_267 : memref<4x2560xf32, #tpu.memory_space<hbm>>) target_semaphore(%run_scoped3A : memref<!tpu.dma_semaphore, #tpu.memory_space<semaphore_mem>>)
      %dma_wait3A = arith.constant 0 : i32
      %dma_wait3A_268 = tpu.memref_slice %arg3[%select_n3A, %dma_wait3A, %mul3A_32] : memref<4x4x20480xf32, #tpu.memory_space<hbm>> -> memref<1x4x2560xf32, #tpu.memory_space<hbm>>
      %dma_wait3A_269 = tpu.memref_squeeze %dma_wait3A_268 : memref<1x4x2560xf32, #tpu.memory_space<hbm>> -> memref<4x2560xf32, #tpu.memory_space<hbm>>
      %dma_wait3A_270 = arith.constant 0 : i32
      %dma_wait3A_271 = tpu.memref_slice %arg3[%select_n3A, %dma_wait3A_270, %mul3A_32] : memref<4x4x20480xf32, #tpu.memory_space<hbm>> -> memref<1x4x2560xf32, #tpu.memory_space<hbm>>
      %dma_wait3A_272 = tpu.memref_squeeze %dma_wait3A_271 : memref<1x4x2560xf32, #tpu.memory_space<hbm>> -> memref<4x2560xf32, #tpu.memory_space<hbm>>
      tpu.wait_dma2 semaphore(%run_scoped3A : memref<!tpu.dma_semaphore, #tpu.memory_space<semaphore_mem>>) src(%arg5 : memref<4x2560xf32, #tpu.memory_space<vmem>>) dst(%dma_wait3A_272 : memref<4x2560xf32, #tpu.memory_space<hbm>>)
      tpu.yield
    }) : () -> ()
    return
  }
}

module attributes {stable_mosaic.version = 14 : i64} {
  func.func @_loss_body(%arg0: i32, %arg1: memref<4x10240xf32, #tpu.memory_space<vmem>>, %arg2: memref<4x10240xf32, #tpu.memory_space<vmem>>, %arg3: memref<4x10240xf32, #tpu.memory_space<vmem>>, %arg4: memref<4x10240xf32, #tpu.memory_space<vmem>>, %arg5: memref<4x4x10240xf32, #tpu.memory_space<vmem>>, %arg6: memref<4x128xf32, #tpu.memory_space<vmem>>, %arg7: memref<1x128xf32, #tpu.memory_space<vmem>>) attributes {dimension_semantics = [#tpu.dimension_semantics<arbitrary>], iteration_bounds = array<i64: 2>, scalar_prefetch = 0 : i64, scratch_operands = 0 : i64, tpu.core_type = #tpu.core_type<tc>, window_params = [{transform_indices = @transform_0, window_bounds = array<i64: 4, 10240>}, {transform_indices = @transform_1, window_bounds = array<i64: 4, 10240>}, {transform_indices = @transform_2, window_bounds = array<i64: 4, 10240>}, {transform_indices = @transform_3, window_bounds = array<i64: 4, 10240>}, {transform_indices = @transform_4, window_bounds = array<i64: 4, 4, 10240>}, {pipeline_mode = #tpu.pipeline_mode<synchronous>, transform_indices = @transform_5, window_bounds = array<i64: 4, 128>}, {pipeline_mode = #tpu.pipeline_mode<synchronous>, transform_indices = @transform_6, window_bounds = array<i64: 1, 128>}]} {
    %mul3A = arith.constant 10240 : i32
    %mul3A_0 = arith.muli %arg0, %mul3A : i32
    %iota3A = tpu.iota {dimensions = array<i32: 1>} : vector<1x10240xi32>
    %add3A = vector.broadcast %mul3A_0 : i32 to vector<1x10240xi32>
    %add3A_1 = arith.addi %add3A, %iota3A : vector<1x10240xi32>
    %convert_element_type3A = arith.sitofp %add3A_1 : vector<1x10240xi32> to vector<1x10240xf32>
    %lt3A = arith.constant 2.000000e+04 : f32
    %lt3A_2 = vector.broadcast %lt3A : f32 to vector<1x10240xf32>
    %lt3A_3 = arith.cmpf olt, %convert_element_type3A, %lt3A_2 : vector<1x10240xf32>
    %get3A = arith.constant 0 : index
    %get3A_4 = arith.constant 0 : index
    %get3A_5 = arith.constant 0 : index
    %get3A_6 = vector.load %arg5[%get3A, %get3A_4, %get3A_5] : memref<4x4x10240xf32, #tpu.memory_space<vmem>>, vector<4x1x10240xf32>
    %get3A_7 = vector.shape_cast %get3A_6 : vector<4x1x10240xf32> to vector<4x10240xf32>
    %get3A_8 = arith.constant 0 : index
    %get3A_9 = arith.constant 1 : index
    %get3A_10 = arith.constant 0 : index
    %get3A_11 = vector.load %arg5[%get3A_8, %get3A_9, %get3A_10] : memref<4x4x10240xf32, #tpu.memory_space<vmem>>, vector<4x1x10240xf32>
    %get3A_12 = vector.shape_cast %get3A_11 : vector<4x1x10240xf32> to vector<4x10240xf32>
    %get3A_13 = arith.constant 0 : index
    %get3A_14 = arith.constant 2 : index
    %get3A_15 = arith.constant 0 : index
    %get3A_16 = vector.load %arg5[%get3A_13, %get3A_14, %get3A_15] : memref<4x4x10240xf32, #tpu.memory_space<vmem>>, vector<4x1x10240xf32>
    %get3A_17 = vector.shape_cast %get3A_16 : vector<4x1x10240xf32> to vector<4x10240xf32>
    %get3A_18 = arith.constant 0 : index
    %get3A_19 = arith.constant 3 : index
    %get3A_20 = arith.constant 0 : index
    %get3A_21 = vector.load %arg5[%get3A_18, %get3A_19, %get3A_20] : memref<4x4x10240xf32, #tpu.memory_space<vmem>>, vector<4x1x10240xf32>
    %get3A_22 = vector.shape_cast %get3A_21 : vector<4x1x10240xf32> to vector<4x10240xf32>
    %lt3A_23 = arith.constant 1.000000e+07 : f32
    %lt3A_24 = vector.broadcast %lt3A_23 : f32 to vector<4x10240xf32>
    %lt3A_25 = arith.cmpf olt, %get3A_7, %lt3A_24 : vector<4x10240xf32>
    %and3A = vector.broadcast %lt3A_3 : vector<1x10240xi1> to vector<4x10240xi1>
    %and3A_26 = arith.andi %and3A, %lt3A_25 : vector<4x10240xi1>
    %jit3A = arith.constant 1.000000e+00 : f32
    %jit3A_27 = arith.constant 0.000000e+00 : f32
    %broadcast_in_dim3A = vector.broadcast %jit3A : f32 to vector<4x10240xf32>
    %broadcast_in_dim3A_28 = vector.broadcast %jit3A_27 : f32 to vector<4x10240xf32>
    %select_n3A = arith.select %and3A_26, %broadcast_in_dim3A, %broadcast_in_dim3A_28 : vector<4x10240xi1>, vector<4x10240xf32>
    %eq3A = arith.constant 0.000000e+00 : f32
    %eq3A_29 = vector.broadcast %eq3A : f32 to vector<4x10240xf32>
    %eq3A_30 = arith.cmpf oeq, %get3A_22, %eq3A_29 : vector<4x10240xf32>
    %jit3A_31 = arith.constant 0.000000e+00 : f32
    %broadcast_in_dim3A_32 = vector.broadcast %jit3A_31 : f32 to vector<4x10240xf32>
    %select_n3A_33 = arith.select %eq3A_30, %select_n3A, %broadcast_in_dim3A_32 : vector<4x10240xi1>, vector<4x10240xf32>
    %eq3A_34 = arith.constant 1.000000e+00 : f32
    %eq3A_35 = vector.broadcast %eq3A_34 : f32 to vector<4x10240xf32>
    %eq3A_36 = arith.cmpf oeq, %get3A_22, %eq3A_35 : vector<4x10240xf32>
    %jit3A_37 = arith.constant 0.000000e+00 : f32
    %broadcast_in_dim3A_38 = vector.broadcast %jit3A_37 : f32 to vector<4x10240xf32>
    %select_n3A_39 = arith.select %eq3A_36, %select_n3A, %broadcast_in_dim3A_38 : vector<4x10240xi1>, vector<4x10240xf32>
    %get3A_40 = arith.constant 0 : index
    %get3A_41 = arith.constant 0 : index
    %get3A_42 = vector.load %arg1[%get3A_40, %get3A_41] : memref<4x10240xf32, #tpu.memory_space<vmem>>, vector<4x10240xf32>
    %neg3A = arith.constant 0.000000e+00 : f32
    %neg3A_43 = vector.broadcast %neg3A : f32 to vector<4x10240xf32>
    %neg3A_44 = arith.subf %neg3A_43, %get3A_42 : vector<4x10240xf32>
    %exp3A = math.exp %neg3A_44 : vector<4x10240xf32>
    %add3A_45 = arith.constant 1.000000e+00 : f32
    %add3A_46 = vector.broadcast %add3A_45 : f32 to vector<4x10240xf32>
    %add3A_47 = arith.addf %add3A_46, %exp3A : vector<4x10240xf32>
    %div3A = arith.constant 1.000000e+00 : f32
    %div3A_48 = vector.broadcast %div3A : f32 to vector<4x10240xf32>
    %div3A_49 = arith.divf %div3A_48, %add3A_47 : vector<4x10240xf32>
    %eq3A_50 = arith.constant 1.000000e+00 : f32
    %eq3A_51 = vector.broadcast %eq3A_50 : f32 to vector<4x10240xf32>
    %eq3A_52 = arith.cmpf oeq, %select_n3A_33, %eq3A_51 : vector<4x10240xf32>
    %sub3A = arith.constant 1.000000e+00 : f32
    %sub3A_53 = vector.broadcast %sub3A : f32 to vector<4x10240xf32>
    %sub3A_54 = arith.subf %sub3A_53, %div3A_49 : vector<4x10240xf32>
    %select_n3A_55 = arith.select %eq3A_52, %div3A_49, %sub3A_54 : vector<4x10240xi1>, vector<4x10240xf32>
    %jit3A_56 = arith.constant 2.500000e-01 : f32
    %jit3A_57 = arith.constant 7.500000e-01 : f32
    %broadcast_in_dim3A_58 = vector.broadcast %jit3A_56 : f32 to vector<4x10240xf32>
    %broadcast_in_dim3A_59 = vector.broadcast %jit3A_57 : f32 to vector<4x10240xf32>
    %select_n3A_60 = arith.select %eq3A_52, %broadcast_in_dim3A_58, %broadcast_in_dim3A_59 : vector<4x10240xi1>, vector<4x10240xf32>
    %jit3A_61 = arith.constant 9.99999997E-7 : f32
    %jit3A_62 = arith.constant 1.000000e+00 : f32
    %max3A = vector.broadcast %jit3A_61 : f32 to vector<4x10240xf32>
    %max3A_63 = arith.maximumf %max3A, %select_n3A_55 : vector<4x10240xf32>
    %min3A = vector.broadcast %jit3A_62 : f32 to vector<4x10240xf32>
    %min3A_64 = arith.minimumf %min3A, %max3A_63 : vector<4x10240xf32>
    %log3A = math.log %min3A_64 : vector<4x10240xf32>
    %neg3A_65 = arith.constant 0.000000e+00 : f32
    %neg3A_66 = vector.broadcast %neg3A_65 : f32 to vector<4x10240xf32>
    %neg3A_67 = arith.subf %neg3A_66, %log3A : vector<4x10240xf32>
    %sub3A_68 = arith.constant 1.000000e+00 : f32
    %sub3A_69 = vector.broadcast %sub3A_68 : f32 to vector<4x10240xf32>
    %sub3A_70 = arith.subf %sub3A_69, %select_n3A_55 : vector<4x10240xf32>
    %mul3A_71 = arith.mulf %select_n3A_60, %sub3A_70 : vector<4x10240xf32>
    %mul3A_72 = arith.mulf %mul3A_71, %sub3A_70 : vector<4x10240xf32>
    %mul3A_73 = arith.mulf %mul3A_72, %neg3A_67 : vector<4x10240xf32>
    %get3A_74 = arith.constant 0 : index
    %get3A_75 = arith.constant 0 : index
    %get3A_76 = vector.load %arg2[%get3A_74, %get3A_75] : memref<4x10240xf32, #tpu.memory_space<vmem>>, vector<4x10240xf32>
    %neg3A_77 = arith.constant 0.000000e+00 : f32
    %neg3A_78 = vector.broadcast %neg3A_77 : f32 to vector<4x10240xf32>
    %neg3A_79 = arith.subf %neg3A_78, %get3A_76 : vector<4x10240xf32>
    %exp3A_80 = math.exp %neg3A_79 : vector<4x10240xf32>
    %add3A_81 = arith.constant 1.000000e+00 : f32
    %add3A_82 = vector.broadcast %add3A_81 : f32 to vector<4x10240xf32>
    %add3A_83 = arith.addf %add3A_82, %exp3A_80 : vector<4x10240xf32>
    %div3A_84 = arith.constant 1.000000e+00 : f32
    %div3A_85 = vector.broadcast %div3A_84 : f32 to vector<4x10240xf32>
    %div3A_86 = arith.divf %div3A_85, %add3A_83 : vector<4x10240xf32>
    %eq3A_87 = arith.constant 1.000000e+00 : f32
    %eq3A_88 = vector.broadcast %eq3A_87 : f32 to vector<4x10240xf32>
    %eq3A_89 = arith.cmpf oeq, %select_n3A_39, %eq3A_88 : vector<4x10240xf32>
    %sub3A_90 = arith.constant 1.000000e+00 : f32
    %sub3A_91 = vector.broadcast %sub3A_90 : f32 to vector<4x10240xf32>
    %sub3A_92 = arith.subf %sub3A_91, %div3A_86 : vector<4x10240xf32>
    %select_n3A_93 = arith.select %eq3A_89, %div3A_86, %sub3A_92 : vector<4x10240xi1>, vector<4x10240xf32>
    %jit3A_94 = arith.constant 2.500000e-01 : f32
    %jit3A_95 = arith.constant 7.500000e-01 : f32
    %broadcast_in_dim3A_96 = vector.broadcast %jit3A_94 : f32 to vector<4x10240xf32>
    %broadcast_in_dim3A_97 = vector.broadcast %jit3A_95 : f32 to vector<4x10240xf32>
    %select_n3A_98 = arith.select %eq3A_89, %broadcast_in_dim3A_96, %broadcast_in_dim3A_97 : vector<4x10240xi1>, vector<4x10240xf32>
    %jit3A_99 = arith.constant 9.99999997E-7 : f32
    %jit3A_100 = arith.constant 1.000000e+00 : f32
    %max3A_101 = vector.broadcast %jit3A_99 : f32 to vector<4x10240xf32>
    %max3A_102 = arith.maximumf %max3A_101, %select_n3A_93 : vector<4x10240xf32>
    %min3A_103 = vector.broadcast %jit3A_100 : f32 to vector<4x10240xf32>
    %min3A_104 = arith.minimumf %min3A_103, %max3A_102 : vector<4x10240xf32>
    %log3A_105 = math.log %min3A_104 : vector<4x10240xf32>
    %neg3A_106 = arith.constant 0.000000e+00 : f32
    %neg3A_107 = vector.broadcast %neg3A_106 : f32 to vector<4x10240xf32>
    %neg3A_108 = arith.subf %neg3A_107, %log3A_105 : vector<4x10240xf32>
    %sub3A_109 = arith.constant 1.000000e+00 : f32
    %sub3A_110 = vector.broadcast %sub3A_109 : f32 to vector<4x10240xf32>
    %sub3A_111 = arith.subf %sub3A_110, %select_n3A_93 : vector<4x10240xf32>
    %mul3A_112 = arith.mulf %select_n3A_98, %sub3A_111 : vector<4x10240xf32>
    %mul3A_113 = arith.mulf %mul3A_112, %sub3A_111 : vector<4x10240xf32>
    %mul3A_114 = arith.mulf %mul3A_113, %neg3A_108 : vector<4x10240xf32>
    %add3A_115 = arith.addf %mul3A_73, %mul3A_114 : vector<4x10240xf32>
    %jit3A_116 = arith.constant 0.000000e+00 : f32
    %broadcast_in_dim3A_117 = vector.shape_cast %lt3A_3 : vector<1x10240xi1> to vector<1x10240xi1>
    %broadcast_in_dim3A_118 = vector.broadcast %broadcast_in_dim3A_117 : vector<1x10240xi1> to vector<4x10240xi1>
    %broadcast_in_dim3A_119 = vector.broadcast %jit3A_116 : f32 to vector<4x10240xf32>
    %select_n3A_120 = arith.select %broadcast_in_dim3A_118, %add3A_115, %broadcast_in_dim3A_119 : vector<4x10240xi1>, vector<4x10240xf32>
    %sub3A_121 = vector.broadcast %convert_element_type3A : vector<1x10240xf32> to vector<4x10240xf32>
    %sub3A_122 = arith.subf %sub3A_121, %get3A_12 : vector<4x10240xf32>
    %sub3A_123 = vector.broadcast %convert_element_type3A : vector<1x10240xf32> to vector<4x10240xf32>
    %sub3A_124 = arith.subf %get3A_17, %sub3A_123 : vector<4x10240xf32>
    %get3A_125 = arith.constant 0 : index
    %get3A_126 = arith.constant 0 : index
    %get3A_127 = vector.load %arg3[%get3A_125, %get3A_126] : memref<4x10240xf32, #tpu.memory_space<vmem>>, vector<4x10240xf32>
    %min3A_128 = arith.minimumf %sub3A_122, %get3A_127 : vector<4x10240xf32>
    %get3A_129 = arith.constant 0 : index
    %get3A_130 = arith.constant 0 : index
    %get3A_131 = vector.load %arg4[%get3A_129, %get3A_130] : memref<4x10240xf32, #tpu.memory_space<vmem>>, vector<4x10240xf32>
    %min3A_132 = arith.minimumf %sub3A_124, %get3A_131 : vector<4x10240xf32>
    %add3A_133 = arith.addf %min3A_128, %min3A_132 : vector<4x10240xf32>
    %get3A_134 = arith.constant 0 : index
    %get3A_135 = arith.constant 0 : index
    %get3A_136 = vector.load %arg3[%get3A_134, %get3A_135] : memref<4x10240xf32, #tpu.memory_space<vmem>>, vector<4x10240xf32>
    %max3A_137 = arith.maximumf %sub3A_122, %get3A_136 : vector<4x10240xf32>
    %get3A_138 = arith.constant 0 : index
    %get3A_139 = arith.constant 0 : index
    %get3A_140 = vector.load %arg4[%get3A_138, %get3A_139] : memref<4x10240xf32, #tpu.memory_space<vmem>>, vector<4x10240xf32>
    %max3A_141 = arith.maximumf %sub3A_124, %get3A_140 : vector<4x10240xf32>
    %add3A_142 = arith.addf %max3A_137, %max3A_141 : vector<4x10240xf32>
    %max3A_143 = arith.constant 9.99999997E-7 : f32
    %max3A_144 = vector.broadcast %max3A_143 : f32 to vector<4x10240xf32>
    %max3A_145 = arith.maximumf %add3A_142, %max3A_144 : vector<4x10240xf32>
    %div3A_146 = arith.divf %add3A_133, %max3A_145 : vector<4x10240xf32>
    %jit3A_147 = arith.constant 9.99999997E-7 : f32
    %jit3A_148 = arith.constant 1.000000e+00 : f32
    %max3A_149 = vector.broadcast %jit3A_147 : f32 to vector<4x10240xf32>
    %max3A_150 = arith.maximumf %max3A_149, %div3A_146 : vector<4x10240xf32>
    %min3A_151 = vector.broadcast %jit3A_148 : f32 to vector<4x10240xf32>
    %min3A_152 = arith.minimumf %min3A_151, %max3A_150 : vector<4x10240xf32>
    %log3A_153 = math.log %min3A_152 : vector<4x10240xf32>
    %neg3A_154 = arith.constant 0.000000e+00 : f32
    %neg3A_155 = vector.broadcast %neg3A_154 : f32 to vector<4x10240xf32>
    %neg3A_156 = arith.subf %neg3A_155, %log3A_153 : vector<4x10240xf32>
    %reduce_sum3A = arith.constant dense<0.000000e+00> : vector<4xf32>
    %reduce_sum3A_157 = vector.multi_reduction <add>, %select_n3A_120, %reduce_sum3A [1] : vector<4x10240xf32> to vector<4xf32>
    %broadcast_in_dim3A_158 = vector.shape_cast %reduce_sum3A_157 : vector<4xf32> to vector<4x1xf32>
    %jit3A_159 = arith.constant 0.000000e+00 : f32
    %broadcast_in_dim3A_160 = vector.broadcast %jit3A_159 : f32 to vector<4x10240xf32>
    %select_n3A_161 = arith.select %and3A_26, %neg3A_156, %broadcast_in_dim3A_160 : vector<4x10240xi1>, vector<4x10240xf32>
    %reduce_sum3A_162 = arith.constant dense<0.000000e+00> : vector<4xf32>
    %reduce_sum3A_163 = vector.multi_reduction <add>, %select_n3A_161, %reduce_sum3A_162 [1] : vector<4x10240xf32> to vector<4xf32>
    %broadcast_in_dim3A_164 = vector.shape_cast %reduce_sum3A_163 : vector<4xf32> to vector<4x1xf32>
    %reduce_sum3A_165 = arith.constant dense<0.000000e+00> : vector<4xf32>
    %reduce_sum3A_166 = vector.multi_reduction <add>, %select_n3A, %reduce_sum3A_165 [1] : vector<4x10240xf32> to vector<4xf32>
    %broadcast_in_dim3A_167 = vector.shape_cast %reduce_sum3A_166 : vector<4xf32> to vector<4x1xf32>
    %iota3A_168 = tpu.iota {dimensions = array<i32: 1>} : vector<1x128xi32>
    %eq3A_169 = arith.constant 0 : i32
    %eq3A_170 = vector.broadcast %eq3A_169 : i32 to vector<1x128xi32>
    %eq3A_171 = arith.cmpi eq, %iota3A_168, %eq3A_170 : vector<1x128xi32>
    %jit3A_172 = arith.constant 0.000000e+00 : f32
    %broadcast_in_dim3A_173 = vector.shape_cast %eq3A_171 : vector<1x128xi1> to vector<1x128xi1>
    %broadcast_in_dim3A_174 = vector.broadcast %broadcast_in_dim3A_173 : vector<1x128xi1> to vector<4x128xi1>
    %broadcast_in_dim3A_175 = vector.shape_cast %broadcast_in_dim3A_158 : vector<4x1xf32> to vector<4x1xf32>
    %broadcast_in_dim3A_176 = vector.broadcast %broadcast_in_dim3A_175 : vector<4x1xf32> to vector<4x128xf32>
    %broadcast_in_dim3A_177 = vector.broadcast %jit3A_172 : f32 to vector<4x128xf32>
    %select_n3A_178 = arith.select %broadcast_in_dim3A_174, %broadcast_in_dim3A_176, %broadcast_in_dim3A_177 : vector<4x128xi1>, vector<4x128xf32>
    %eq3A_179 = arith.constant 1 : i32
    %eq3A_180 = vector.broadcast %eq3A_179 : i32 to vector<1x128xi32>
    %eq3A_181 = arith.cmpi eq, %iota3A_168, %eq3A_180 : vector<1x128xi32>
    %jit3A_182 = arith.constant 0.000000e+00 : f32
    %broadcast_in_dim3A_183 = vector.shape_cast %eq3A_181 : vector<1x128xi1> to vector<1x128xi1>
    %broadcast_in_dim3A_184 = vector.broadcast %broadcast_in_dim3A_183 : vector<1x128xi1> to vector<4x128xi1>
    %broadcast_in_dim3A_185 = vector.shape_cast %broadcast_in_dim3A_164 : vector<4x1xf32> to vector<4x1xf32>
    %broadcast_in_dim3A_186 = vector.broadcast %broadcast_in_dim3A_185 : vector<4x1xf32> to vector<4x128xf32>
    %broadcast_in_dim3A_187 = vector.broadcast %jit3A_182 : f32 to vector<4x128xf32>
    %select_n3A_188 = arith.select %broadcast_in_dim3A_184, %broadcast_in_dim3A_186, %broadcast_in_dim3A_187 : vector<4x128xi1>, vector<4x128xf32>
    %add3A_189 = arith.addf %select_n3A_178, %select_n3A_188 : vector<4x128xf32>
    %eq3A_190 = arith.constant 2 : i32
    %eq3A_191 = vector.broadcast %eq3A_190 : i32 to vector<1x128xi32>
    %eq3A_192 = arith.cmpi eq, %iota3A_168, %eq3A_191 : vector<1x128xi32>
    %jit3A_193 = arith.constant 0.000000e+00 : f32
    %broadcast_in_dim3A_194 = vector.shape_cast %eq3A_192 : vector<1x128xi1> to vector<1x128xi1>
    %broadcast_in_dim3A_195 = vector.broadcast %broadcast_in_dim3A_194 : vector<1x128xi1> to vector<4x128xi1>
    %broadcast_in_dim3A_196 = vector.shape_cast %broadcast_in_dim3A_167 : vector<4x1xf32> to vector<4x1xf32>
    %broadcast_in_dim3A_197 = vector.broadcast %broadcast_in_dim3A_196 : vector<4x1xf32> to vector<4x128xf32>
    %broadcast_in_dim3A_198 = vector.broadcast %jit3A_193 : f32 to vector<4x128xf32>
    %select_n3A_199 = arith.select %broadcast_in_dim3A_195, %broadcast_in_dim3A_197, %broadcast_in_dim3A_198 : vector<4x128xi1>, vector<4x128xf32>
    %add3A_200 = arith.addf %add3A_189, %select_n3A_199 : vector<4x128xf32>
    %eq3A_201 = arith.constant 0 : i32
    %eq3A_202 = arith.cmpi eq, %arg0, %eq3A_201 : i32
    %convert_element_type3A_203 = arith.extui %eq3A_202 : i1 to i32
    %cond3A = arith.constant 0 : i32
    %cond3A_204 = arith.cmpi ne, %convert_element_type3A_203, %cond3A : i32
    scf.if %cond3A_204 {
      %swap3A = arith.constant 0 : index
      %swap3A_214 = arith.constant 0 : index
      %swap3A_215 = vector.load %arg6[%swap3A, %swap3A_214] : memref<4x128xf32, #tpu.memory_space<vmem>>, vector<4x128xf32>
      tpu.vector_store %arg6[%swap3A, %swap3A_214], %add3A_200 {strides = array<i32>} : memref<4x128xf32, #tpu.memory_space<vmem>>, vector<4x128xf32>,
    } else {
    }
    %gt3A = arith.constant 0 : i32
    %gt3A_205 = arith.cmpi sgt, %arg0, %gt3A : i32
    %convert_element_type3A_206 = arith.extui %gt3A_205 : i1 to i32
    %cond3A_207 = arith.constant 0 : i32
    %cond3A_208 = arith.cmpi ne, %convert_element_type3A_206, %cond3A_207 : i32
    scf.if %cond3A_208 {
      %get3A_214 = arith.constant 0 : index
      %get3A_215 = arith.constant 0 : index
      %get3A_216 = vector.load %arg6[%get3A_214, %get3A_215] : memref<4x128xf32, #tpu.memory_space<vmem>>, vector<4x128xf32>
      %add3A_217 = arith.addf %get3A_216, %add3A_200 : vector<4x128xf32>
      %swap3A = arith.constant 0 : index
      %swap3A_218 = arith.constant 0 : index
      %swap3A_219 = vector.load %arg6[%swap3A, %swap3A_218] : memref<4x128xf32, #tpu.memory_space<vmem>>, vector<4x128xf32>
      tpu.vector_store %arg6[%swap3A, %swap3A_218], %add3A_217 {strides = array<i32>} : memref<4x128xf32, #tpu.memory_space<vmem>>, vector<4x128xf32>,
    } else {
    }
    %eq3A_209 = arith.constant 1 : i32
    %eq3A_210 = arith.cmpi eq, %arg0, %eq3A_209 : i32
    %convert_element_type3A_211 = arith.extui %eq3A_210 : i1 to i32
    %cond3A_212 = arith.constant 0 : i32
    %cond3A_213 = arith.cmpi ne, %convert_element_type3A_211, %cond3A_212 : i32
    scf.if %cond3A_213 {
      %get3A_214 = arith.constant 0 : index
      %get3A_215 = arith.constant 0 : index
      %get3A_216 = vector.load %arg6[%get3A_214, %get3A_215] : memref<4x128xf32, #tpu.memory_space<vmem>>, vector<4x128xf32>
      %slice3A = vector.extract_strided_slice %get3A_216 {offsets = [0, 0], sizes = [4, 1], strides = [1, 1]} : vector<4x128xf32> to vector<4x1xf32>
      %squeeze3A = vector.shape_cast %slice3A : vector<4x1xf32> to vector<4xf32>
      %slice3A_217 = vector.extract_strided_slice %get3A_216 {offsets = [0, 1], sizes = [4, 1], strides = [1, 1]} : vector<4x128xf32> to vector<4x1xf32>
      %squeeze3A_218 = vector.shape_cast %slice3A_217 : vector<4x1xf32> to vector<4xf32>
      %slice3A_219 = vector.extract_strided_slice %get3A_216 {offsets = [0, 2], sizes = [4, 1], strides = [1, 1]} : vector<4x128xf32> to vector<4x1xf32>
      %squeeze3A_220 = vector.shape_cast %slice3A_219 : vector<4x1xf32> to vector<4xf32>
      %max3A_221 = arith.constant 1.000000e+00 : f32
      %max3A_222 = vector.broadcast %max3A_221 : f32 to vector<4xf32>
      %max3A_223 = arith.maximumf %squeeze3A_220, %max3A_222 : vector<4xf32>
      %add3A_224 = arith.addf %squeeze3A, %squeeze3A_218 : vector<4xf32>
      %div3A_225 = arith.divf %add3A_224, %max3A_223 : vector<4xf32>
      %reduce_sum3A_226 = vector.shape_cast %div3A_225 : vector<4xf32> to vector<1x4xf32>
      %reduce_sum3A_227 = arith.constant dense<0.000000e+00> : vector<1xf32>
      %reduce_sum3A_228 = vector.multi_reduction <add>, %reduce_sum3A_226, %reduce_sum3A_227 [1] : vector<1x4xf32> to vector<1xf32>
      %reduce_sum3A_229 = vector.shape_cast %reduce_sum3A_228 : vector<1xf32> to vector<1x1xf32>
      %reduce_sum3A_230 = vector.extract %reduce_sum3A_229[0, 0] : f32 from vector<1x1xf32>
      %mul3A_231 = arith.constant 2.500000e-01 : f32
      %mul3A_232 = arith.mulf %reduce_sum3A_230, %mul3A_231 : f32
      %broadcast_in_dim3A_233 = vector.broadcast %mul3A_232 : f32 to vector<1x128xf32>
      %swap3A = arith.constant 0 : index
      %swap3A_234 = arith.constant 0 : index
      %swap3A_235 = vector.load %arg7[%swap3A, %swap3A_234] : memref<1x128xf32, #tpu.memory_space<vmem>>, vector<1x128xf32>
      tpu.vector_store %arg7[%swap3A, %swap3A_234], %broadcast_in_dim3A_233 {strides = array<i32>} : memref<1x128xf32, #tpu.memory_space<vmem>>, vector<1x128xf32>,
    } else {
    }
    return
  }
  func.func @transform_0(%arg0: i32) -> (i32, i32) {
    %c0_i32 = arith.constant 0 : i32
    %c0_i32_0 = arith.constant 0 : i32
    return %c0_i32, %arg0 : i32, i32
  }
  func.func @transform_1(%arg0: i32) -> (i32, i32) {
    %c0_i32 = arith.constant 0 : i32
    %c0_i32_0 = arith.constant 0 : i32
    return %c0_i32, %arg0 : i32, i32
  }
  func.func @transform_2(%arg0: i32) -> (i32, i32) {
    %c0_i32 = arith.constant 0 : i32
    %c0_i32_0 = arith.constant 0 : i32
    return %c0_i32, %arg0 : i32, i32
  }
  func.func @transform_3(%arg0: i32) -> (i32, i32) {
    %c0_i32 = arith.constant 0 : i32
    %c0_i32_0 = arith.constant 0 : i32
    return %c0_i32, %arg0 : i32, i32
  }
  func.func @transform_4(%arg0: i32) -> (i32, i32, i32) {
    %c0_i32 = arith.constant 0 : i32
    %c0_i32_0 = arith.constant 0 : i32
    %c0_i32_1 = arith.constant 0 : i32
    return %c0_i32, %c0_i32_0, %arg0 : i32, i32, i32
  }
  func.func @transform_5(%arg0: i32) -> (i32, i32) {
    %c0_i32 = arith.constant 0 : i32
    %c0_i32_0 = arith.constant 0 : i32
    %c0_i32_1 = arith.constant 0 : i32
    return %c0_i32, %c0_i32_0 : i32, i32
  }
  func.func @transform_6(%arg0: i32) -> (i32, i32) {
    %c0_i32 = arith.constant 0 : i32
    %c0_i32_0 = arith.constant 0 : i32
    %c0_i32_1 = arith.constant 0 : i32
    return %c0_i32, %c0_i32_0 : i32, i32
  }
}

</mosaic_0001>

<sc_bundles>
// kernel: kernel.4.cloned.1.call-start
scs
__scs_entry_jumppad:
0x0: {  	(pc) =	sbr.rel $0x88, $3  }
0x1: {  	(tag) =	ssettag $0x0;
	lr =	simm.s32 $0x1  }
0x2: {  	[smem:$0x3F9E] =	sst lr;
	_ =	strace $0xD0000000  }
0x3: {  	_ = 	snop  }
0x4: {  	_ = 	snop  }
0x5: {  	_ = 	snop  }
0x6: {  	_ = 	snop  }
0x7: {  	_ = 	snop  }
__scs_overlays_trampoline_lowered:
0x8: {  	[smem:$0x3FAD] =	sst s0  }
0x9: {  	[smem:$0x3FAE] =	sst s1  }
0xa: {  	[smem:$0x3FAF] =	sst s2  }
0xb: {  	[smem:$0x3FB0] =	sst s3  }
0xc: {  	[smem:$0x3FB1] =	sst s4  }
0xd: {  	[smem:$0x3FB2] =	sst s5  }
0xe: {  	[smem:$0x3FB3] =	sst s6  }
0xf: {  	[smem:$0x3FB4] =	sst s7  }
0x10: {  	[smem:$0x3FB5] =	sst s8  }
0x11: {  	[smem:$0x3FB6] =	sst s9;
	s0 =	simm.s32 @!p0 $0x0  }
0x12: {  	s1 =	sld [smem:$0x3F9C];
	s0 =	simm.s32 @p0 $0x1  }
0x13: {  	[smem:$0x3FB7] =	sst s0;
	s0 =	simm.s32 @!p1 $0x0  }
0x14: {  	s2 =	sld [smem:$0x3F9B];
	s0 =	simm.s32 @p1 $0x1  }
0x15: {  	[smem:$0x3FB8] =	sst s0;
	s0 =	simm.s32 @!p2 $0x0  }
0x16: {  	s3 =	sld [smem:$0x3FDB];
	s0 =	simm.s32 @p2 $0x1  }
0x17: {  	s4 =	simm.s32 $0x1BF5;
	[smem:$0x3FBA] =	sst s0  }
0x18: {  	s0 =	sld [smem:$0x3F9D];
	_ =	swait.ge [sflag:s4], $0x0  }
0x19: {  	s7 =	sld [smem:$0x3F9E]  }
0x1a: {  	s8 =	sadd.s32 $0xFFFFE003, lr  }
0x1b: {  	s9 =	sadd.s32 $0xFFFFFEF7, lr;
	s5 =	simm.s32 $0xFFFFFFFF;
	p2 =	slt.u32 s8, $0xFFFFF086  }
0x1c: {  	p1 =	slt.u32 s9, $0xF7A;
	s5 =	simm.s32 @!p2 $0x0  }
0x1d: {  	s5 =	simm.s32 @p1 $0x1;
	p0 =	seq.s32 s7, s2  }
0x1e: {  	s7 =	smul.u32 @!p0 $0xF7A, s2;
	p2 =	seq.s32 @!p0 s5, $0x0  }
0x1f: {  	s9 =	smul.u32 $0xF7A, s1;
	s8 =	simm.s32 @!p0 $0x1BF5;
	p2 =	por !p2, p0  }
0x20: {  	[sflag:s8] =	ssyncset.s32 @!p0 $0xFFFFF086;
	s6 =	sadd.s32 @!p0 s3, s7;
	s7 =	simm.s32 @!p0 $0x108  }
0x21: {  	s3 =	sadd.s32 s3, s9;
	s6 =	sadd.s32 @!p0 $0x88, s6;
	s7 =	simm.s32 @p2 $0x1082  }
0x22: {  	[simem:s7], [sflag:s8] =	dma.local @!p0 [hbm:s6], $0xF7A  }
0x23: {  	s9 =	sor.u32 $0xD0000000, s2;
	s6 =	simm.s32 $0x108;
	_ =	swait.ge @!p0 [sflag:s8], $0x0  }
0x24: {  	s3 =	sadd.s32 $0x88, s3;
	s6 =	simm.s32 @!p1 $0x1082;
	[sflag:s4] =	ssyncset.s32 $0xFFFFF086  }
0x25: {  	[simem:s6], [sflag:s4] =	dma.local [hbm:s3], $0xF7A  }
0x26: {  	[smem:$0x3F9E] =	sst s1;
	(tag) =	ssettag s2;
	_ =	strace s9  }
0x27: {  	s1 =	sld [smem:$0x3FAE]  }
0x28: {  	s2 =	sld [smem:$0x3FAF]  }
0x29: {  	s4 =	sld [smem:$0x3FB1]  }
0x2a: {  	p0 =	seq.s32 s5, $0x0;
	s5 =	sld [smem:$0x3FB2]  }
0x2b: {  	s6 =	sld [smem:$0x3FB3]  }
0x2c: {  	s7 =	sld [smem:$0x3FB4]  }
0x2d: {  	s3 =	simm.s32 $0x108;
	s8 =	sld [smem:$0x3FB5]  }
0x2e: {  	s3 =	simm.s32 @!p0 $0x1082;
	s9 =	sld [smem:$0x3FB6]  }
0x2f: {  	lr =	sadd.s32 s0, s3;
	s0 =	sld [smem:$0x3FAD]  }
0x30: {  	s3 =	sld [smem:$0x3FB0]  }
0x31: {  	[smem:$0x3FB9] =	sst s10  }
0x32: {  	s10 =	sld [smem:$0x3FB7];
	_ =	sdelay $0x3  }
0x33: {  	p0 =	seq.s32 s10, $0x1;
	s10 =	sld [smem:$0x3FB9];
	_ =	sdelay $0x3  }
0x34: {  	[smem:$0x3FB9] =	sst s10  }
0x35: {  	s10 =	sld [smem:$0x3FB8];
	_ =	sdelay $0x3  }
0x36: {  	p1 =	seq.s32 s10, $0x1;
	s10 =	sld [smem:$0x3FB9];
	_ =	sdelay $0x3  }
0x37: {  	[smem:$0x3FB9] =	sst s10  }
0x38: {  	s10 =	sld [smem:$0x3FBA]  }
0x39: {  	_ = 	snop;
	(pc) =	sbr.ind lr, $3  }
0x3a: {  	_ = 	snop  }
0x3b: {  	_ = 	snop  }
0x3c: {  	p2 =	seq.s32 s10, $0x1;
	s10 =	sld [smem:$0x3FB9]  }
0x3d: {  	_ =	shalt  }
0x3e: {  	_ =	shalt  }
0x3f: {  	_ =	shalt  }
0x40: {  	_ =	shalt  }
0x41: {  	_ =	shalt  }
0x42: {  	_ =	shalt  }
0x43: {  	_ =	shalt  }
0x44: {  	_ =	shalt  }
0x45: {  	_ =	shalt  }
0x46: {  	_ =	shalt  }
0x47: {  	_ =	shalt  }
0x48: {  	_ =	shalt  }
0x49: {  	_ =	shalt  }
0x4a: {  	_ =	shalt  }
0x4b: {  	_ =	shalt  }
0x4c: {  	_ =	shalt  }
0x4d: {  	_ =	shalt  }
0x4e: {  	_ =	shalt  }
0x4f: {  	_ =	shalt  }
0x50: {  	_ =	shalt  }
0x51: {  	_ =	shalt  }
0x52: {  	_ =	shalt  }
0x53: {  	_ =	shalt  }
0x54: {  	_ =	shalt  }
0x55: {  	_ =	shalt  }
0x56: {  	_ =	shalt  }
0x57: {  	_ =	shalt  }
0x58: {  	_ =	shalt  }
0x59: {  	_ =	shalt  }
0x5a: {  	_ =	shalt  }
0x5b: {  	_ =	shalt  }
0x5c: {  	_ =	shalt  }
0x5d: {  	_ =	shalt  }
0x5e: {  	_ =	shalt  }
0x5f: {  	_ =	shalt  }
0x60: {  	_ =	shalt  }
0x61: {  	_ =	shalt  }
0x62: {  	_ =	shalt  }
0x63: {  	_ =	shalt  }
0x64: {  	_ =	shalt  }
0x65: {  	_ =	shalt  }
0x66: {  	_ =	shalt  }
0x67: {  	_ =	shalt  }
0x68: {  	_ =	shalt  }
0x69: {  	_ =	shalt  }
0x6a: {  	_ =	shalt  }
0x6b: {  	_ =	shalt  }
0x6c: {  	_ =	shalt  }
0x6d: {  	_ =	shalt  }
0x6e: {  	_ =	shalt  }
0x6f: {  	_ =	shalt  }
0x70: {  	_ =	shalt  }
0x71: {  	_ =	shalt  }
0x72: {  	_ =	shalt  }
0x73: {  	_ =	shalt  }
0x74: {  	_ =	shalt  }
0x75: {  	_ =	shalt  }
0x76: {  	_ =	shalt  }
0x77: {  	_ =	shalt  }
0x78: {  	_ =	shalt  }
0x79: {  	_ =	shalt  }
0x7a: {  	_ =	shalt  }
0x7b: {  	_ =	shalt  }
0x7c: {  	_ =	shalt  }
0x7d: {  	_ =	shalt  }
0x7e: {  	_ =	shalt  }
0x7f: {  	_ =	shalt  }
0x80: {  	_ =	shalt  }
0x81: {  	_ =	shalt  }
0x82: {  	_ =	shalt  }
0x83: {  	_ =	shalt  }
0x84: {  	_ =	shalt  }
0x85: {  	_ =	shalt  }
0x86: {  	_ =	shalt  }
0x87: {  	_ =	shalt  }
.Lfunc_end0:
.L_simem_size_0:
called_computation_lowered:
.L_overlay_start_0:
0x88: {  	s2 =	sld [smem:$0x3FD9]  }
0x89: {  	s3 =	sld [smem:$0x3FFE];
	_ =	sdelay $0x1  }
0x8a: {  	s1 =	srdreg.scid  }
0x8b: {  	s0 =	sand.u32 $0x1, s1  }
0x8c: {  	s17 =	sshll.u32 s0, $0xA;
	s2 =	sadd.s32 s3, s2  }
0x8d: {  	s2 =	sadd.s32 s2, s17  }
0x8e: {  	[smem:$0x3FC5] =	sst s2  }
0x8f: {  	_ = 	snop  }
0x90: {  	s2 =	sld [smem:$0x3FC7];
	(tm) =	ssettm $0x1  }
0x91: {  	s18 =	sld [smem:$0x3FFB];
	_ =	sdelay $0x3  }
0x92: {  	_ =	strace s18  }
0x93: {  	s3 =	sld [smem:$0x3FFC];
	_ =	sdelay $0x3  }
0x94: {  	_ =	strace s3  }
0x95: {  	s3 =	sld [smem:$0x3FFD];
	_ =	sdelay $0x3  }
0x96: {  	_ =	strace s3  }
0x97: {  	_ =	strace $0x8FFFFFFF  }
0x98: {  	s19 =	sld [smem:$0x3FDB];
	_ =	sdelay $0x1  }
0x99: {  	s4 =	simm.s32 $_scs_section_size  }
0x9a: {  	s5 =	simm.s32 $_size__tile_overlayer_lowered;
	s6 =	simm.s32 $_tile_overlayer_lowered  }
0x9b: {  	s22 =	simm.s32 $0x1BFF;
	s21 =	sshll.u32 s6, $0x1;
	s3 =	sadd.s32 s4, s19  }
0x9c: {  	s7 =	simm.s32 $0x0;
	s20 =	sshll.u32 s5, $0x1;
	s5 =	sadd.s32 s21, s3  }
0x9d: {  	[timem:s7], [sflag:s22] =	dma.local [hbm:s5], s20  }
0x9e: {  	_ =	swait.ge [sflag:s22], s20  }
0x9f: {  	s4 =	ssub.s32 $0x0, s20;
	[sflag:s22] =	ssyncset.done $0x0  }
0xa0: {  	[sflag:s22] =	ssyncadd.s32 s4;
	_ =	sdelay $0x1  }
0xa1: {  	s23 =	simm.s32 $0x1B8B  }
0xa2: {  	_ =	swait.ge [sflag:s23], $0x1  }
0xa3: {  	[sflag:s23] =	ssyncset.done $0x0  }
0xa4: {  	s25 =	simm.s32 $0x1B8E;
	s24 =	sld [smem:$0x3FFE];
	[sflag:s23] =	ssyncadd.s32 $0xFFFFFFFF  }
0xa5: {  	s26 =	simm.s32 $execute0_lowered;
	[smem:$0x3FD2] =	sst s25  }
0xa6: {  	s5 =	sshll.u32 s26, $0x1;
	_ =	strace $0x80000046;
	[dreg:$0x1] =	wrdreg $0xFFFFFFFF  }
0xa7: {  	s28 =	simm.s32 $_size_execute0_lowered;
	s3 =	sadd.s32 s3, s5;
	[dreg:$0x0] =	wrdreg $0x0  }
0xa8: {  	s5 =	sshll.u32 s28, $0x1;
	[dreg:$0x2] =	wrdreg s3  }
0xa9: {  	[dreg:$0x3] =	wrdreg s5  }
0xaa: {  	[dreg:$0x4] =	wrdreg $0xC0  }
0xab: {  	_ =	task [dreg:s7], $0x5FFFF  }
0xac: {  	[dreg:$0x1] =	wrdreg $0xFFFFFFFF  }
0xad: {  	[dreg:$0x0] =	wrdreg $0x60  }
0xae: {  	[dreg:$0x2] =	wrdreg s2  }
0xaf: {  	[dreg:$0x3] =	wrdreg s24  }
0xb0: {  	[dreg:$0x4] =	wrdreg $0x9  }
0xb1: {  	_ =	task.clear_ibuf [dreg:s7], $0x5FFFF;
	_ =	strace $0x90000046  }
0xb2: {  	s29 =	simm.s32 $0x9;
	_ =	strace $0x80000048  }
0xb3: {  	_ =	swait.ge [sflag:s29], $0x1  }
0xb4: {  	[sflag:s29] =	ssyncadd.s32 $0xFFFFFFFF  }
0xb5: {  	_ =	strace $0x90000048  }
0xb6: {  	_ =	sfence  }
0xb7: {  	s30 =	sld [smem:$0x0];
	_ =	sdelay $0x2  }
0xb8: {  	s31 =	sshll.u32 s1, $0xD;
	s1 =	sshrl.u32 s1, $0x2  }
0xb9: {  	s3 =	sand.u32 $0x4000, s31;
	s1 =	sadd.s32 s1, s30  }
0xba: {  	s0 =	sor.u32 s3, s0;
	s1 =	sshll.u32 s1, $0x11  }
0xbb: {  	s0 =	sor.u32 s1, s0  }
0xbc: {  	s0 =	sadd.s32 $0x8F2B, s0  }
0xbd: {  	[sflag:s0] =	ssyncadd.remote.s32 $0x1  }
0xbe: {  	_ =	sfence.sel $0xFFFF  }
0xbf: {  	[dreg:$0x0] =	wrdreg $0xFFFFFFFF;
	(pc) =	sbr.abs _section_cstart, $3  }
0xc0: {  	[dreg:$0x1] =	wrdreg $0xFFFFFFFF  }
0xc1: {  	_ =	task.clear_ibuf [dreg:s7], $0x2FFFF;
	_ =	strace $0x9FFFFFFF  }
0xc2: {  	(tm) =	ssettm $0x7FFFFFFF  }
0xc3: {  	_ =	shalt  }
tec
execute0_lowered:
.L_overlay_start_1:
0x0: {  	(tag) =	ssettag $0x1  }
0x1: {  	s0 =	srdreg.scid;
	v0 =	vimm.f32 $1.500000000e+01;
	vm0 =	vcmask $0x300;
	s6 =	rddreg [dreg:$0x0]  }
0x2: {  	vm14 =	vcmask $0x704;
	s3 =	simm.s32 $0x1;
	s7 =	rddreg [dreg:$0x1];
	s5 =	sand.u32 $0x1, s0;
	v0 =	vsel vm0, $0x0, v0  }
0x3: {  	vm15 =	vcmask $0xB08;
	s2 =	simm.s32 $0x0;
	s0 =	stileid.u32;
	s1 =	sshll.u32 s5, $0x4;
	v0 =	vsel vm14, $0x3F800000, v0  }
0x4: {  	vm4 =	vcmask $0xF0C;
	[smem:$0x7FF] =	sst s2;
	s4 =	sand.u32 $0x7, s0;
	s1 =	sor.u32 s0, s1;
	v0 =	vsel vm15, $0x40000000, v0  }
0x5: {  	vm5 =	vcmask $0x1310;
	p1 =	sne.s32 s4, $0x0;
	s10 =	smul.u32 $0x2800, s4;
	p0 =	seq.s32 s1, $0x0;
	v0 =	vsel vm4, $0x40400000, v0  }
0x6: {  	vm6 =	vcmask $0x1714;
	s12 =	ssub.s32 $0x2, s5;
	s4 =	smul.u32 $0xA00, s4;
	p0 =	por !p1, !p0;
	v0 =	vsel vm5, $0x40800000, v0  }
0x7: {  	vm7 =	vcmask $0x1B18;
	s29 =	sshrl.u32 s12, $0x1;
	s8 =	sshrl.u32 s1, $0x3;
	p0 =	por !p0, !p0;
	v0 =	vsel vm6, $0x40A00000, v0  }
0x8: {  	vm8 =	vcmask $0x1F1C;
	s1 =	rddreg [dreg:$0x2];
	_ =	strace $0x80000047;
	s3 =	simm.s32 @!p0 $0x0;
	v0 =	vsel vm7, $0x40C00000, v0  }
0x9: {  	vm9 =	vcmask $0x2320;
	s31 =	ssub.s32 s12, s29;
	s25 =	sadd.s32 $0xA00, s4;
	s8 =	ssub.s32 s8, s3;
	v0 =	vsel vm8, $0x40E00000, v0  }
0xa: {  	vm10 =	vcmask $0x2724;
	s5 =	scvt.s32.f32 s4;
	s9 =	smul.u32 $0x14000, s8;
	s11 =	sshrl.u32 s8, $0x2;
	v0 =	vsel vm9, $0x41000000, v0  }
0xb: {  	vm11 =	vcmask $0x2B28;
	s12 =	simm.s32 $0x0;
	s28 =	scvt.s32.f32 s25;
	s24 =	smul.u32 $0xC00, s11;
	v0 =	vsel vm10, $0x41100000, v0  }
.Ltmp0:
0xc: {  	vm12 =	vcmask $0x2F2C;
	s3 =	simm.s32 $0x1;
	s8 =	sshll.u32 s8, $0x7;
	v0 =	vsel vm11, $0x41200000, v0;
	(pc) =	sbr.rel .LBB2_1-.Ltmp0, $4  }
0xd: {  	vm13 =	vcmask $0x3330;
	s8 =	sand.u32 $0x180, s8;
	s11 =	simm.s32 $0x380;
	s9 =	sadd.s32 s10, s9;
	v1 =	vsel vm12, $0x41300000, v0  }
0xe: {  	v4 =	vimm.f32 $1.000000000e+08;
	vm14 =	vcmask $0x3734;
	s10 =	simm.s32 $0x200;
	s9 =	sshrl.u32 s9, $0x3;
	s26 =	sor.u32 s8, s24;
	v2 =	vsel vm13, $0x41400000, v1  }
0xf: {  	vm15 =	vcmask $0x3B38;
	v0 =	vmov s28;
	s8 =	smax.u32 s31, $0x1;
	s30 =	sshrl.u32 s26, $0x3;
	s7 =	sadd.s32 s9, s7;
	v3 =	vsel vm14, $0x41500000, v2  }
0x10: {  	v1 =	vmov s5;
	s9 =	simm.s32 $0x80;
	s6 =	sadd.s32 s6, s30;
	s7 =	sadd.s32 $0x1400, s7;
	v2 =	vimm.f32 $0.0e+00;
	v3 =	vsel vm15, $0x41600000, v3  }
.LBB2_13:
0x11: {  	s12 =	sadd.s32 $0x1, s12  }
0x12: {  	p0 =	sne.s32 s12, s8  }
.Ltmp1:
0x13: {  	_ = 	snop;
	(pc) =	sbr.rel @!p0 .LBB2_14-.Ltmp1, $4  }
0x14: {  	[hbm4b:s7+s2] =	stream.linear.scatter [tilespmem:s11], [sflag:$0x1], $0x2800, $0x38;
	[tilespmem:$0x2B80] =	vst v63  }
0x15: {  	_ =	swait.ge [sflag:s3], $0x2800  }
0x16: {  	[sflag:s3] =	ssyncset.done $0x0  }
0x17: {  	[sflag:s3] =	ssyncadd.s32 $0xFFFFD800  }
.LBB2_1:
0x18: {  	[tilespmem:s2], [sflag:$0x1] =	stream.strided.gather [hbm4b:s6+s9], $0x300, s10, s9, $0x38;
	[tilespmem:$0x2B80] =	vst v63  }
0x19: {  	_ =	swait.ge [sflag:s3], $0x300  }
0x1a: {  	[sflag:s3] =	ssyncset.done $0x0  }
0x1b: {  	[sflag:s3] =	ssyncadd.s32 $0xFFFFFD00  }
0x1c: {  	s15 =	sand.u32 $0xF0, s2;
	v8 =	vld [tilespmem:s2+$0x0]  }
0x1d: {  	v6 =	vld [tilespmem:s15+$0x100]  }
0x1e: {  	s14 =	scvt.s32.f32 s2;
	_ =	sdelay $0x1  }
0x1f: {  	v5 =	vimm.f32 $2.560000000e+02;
	s13 =	simm.s32 $0x10;
	v9 =	vimm.f32 $0.0e+00;
	v7 =	vadd.f32 s14, v3;
	s14 =	simm.s32 $0x10  }
.LBB2_2:
0x20: {  	s15 =	sand.u32 $0xF0, s13  }
0x21: {  	p0 =	sne.s32 s13, $0xF0;
	vm0 =	vlt.f32 v8, v0;
	v8 =	vld [tilespmem:s14+$0x0];
	vm1 =	vge.f32 v6, v1;
	s16 =	smov.u32 s13;
	s13 =	sadd.s32 $0x10, s13  }
.Ltmp2:
0x22: {  	v6 =	vld [tilespmem:s15+$0x100];
	v10 =	vsel vm0, $0x3F800000, v2;
	v7 =	vnsel vm1, $0x43800000, v7;
	(pc) =	sbr.rel @p0 .LBB2_2-.Ltmp2, $3  }
0x23: {  	v9 =	vadd.f32 v10, v9;
	v5 =	vmin.f32 v5, v7  }
0x24: {  	s15 =	scvt.s32.f32 s16;
	_ =	sdelay $0x1  }
0x25: {  	s14 =	sadd.s32 $0x10, s14;
	v7 =	vadd.f32 s15, v3  }
0x26: {  	vm0 =	vlt.f32 v8, v0  }
0x27: {  	v8 =	vsel vm0, $0x3F800000, v2  }
0x28: {  	v29 =	vadd.f32 v8, v9;
	_ =	sdelay $0x1  }
0x29: {  	[tilespmem:$0x300] =	vst v29  }
0x2a: {  	v30 =	vld [tilespmem:$0x301]  }
0x2b: {  	v31 =	vld [tilespmem:$0x302]  }
0x2c: {  	v32 =	vld [tilespmem:$0x303]  }
0x2d: {  	v33 =	vld [tilespmem:$0x304]  }
0x2e: {  	v34 =	vld [tilespmem:$0x305]  }
0x2f: {  	v35 =	vld [tilespmem:$0x306]  }
0x30: {  	v36 =	vld [tilespmem:$0x307]  }
0x31: {  	v28 =	vld [tilespmem:$0x308]  }
0x32: {  	v27 =	vld [tilespmem:$0x309]  }
0x33: {  	v26 =	vld [tilespmem:$0x30A]  }
0x34: {  	v25 =	vld [tilespmem:$0x30B]  }
0x35: {  	vm15 =	vge.f32 v6, v1;
	v24 =	vld [tilespmem:$0x30C]  }
0x36: {  	v6 =	vnsel vm15, $0x43800000, v7;
	v23 =	vld [tilespmem:$0x30D]  }
0x37: {  	v19 =	vmin.f32 v5, v6;
	v21 =	vld [tilespmem:$0x30E]  }
0x38: {  	v22 =	vld [tilespmem:$0x30F];
	[tilespmem:$0x300] =	vst v19  }
0x39: {  	v20 =	vld [tilespmem:$0x301]  }
0x3a: {  	v18 =	vld [tilespmem:$0x302]  }
0x3b: {  	v17 =	vld [tilespmem:$0x303]  }
0x3c: {  	v16 =	vld [tilespmem:$0x304]  }
0x3d: {  	v15 =	vld [tilespmem:$0x305]  }
0x3e: {  	v14 =	vld [tilespmem:$0x306]  }
0x3f: {  	v13 =	vld [tilespmem:$0x307]  }
0x40: {  	v12 =	vld [tilespmem:$0x308]  }
0x41: {  	v11 =	vld [tilespmem:$0x309]  }
0x42: {  	v10 =	vld [tilespmem:$0x30A]  }
0x43: {  	v9 =	vld [tilespmem:$0x30B]  }
0x44: {  	v8 =	vld [tilespmem:$0x30C]  }
0x45: {  	v7 =	vld [tilespmem:$0x30D]  }
0x46: {  	v6 =	vld [tilespmem:$0x30E]  }
0x47: {  	s13 =	simm.s32 $0x0;
	s14 =	simm.s32 $0x800;
	v5 =	vld [tilespmem:$0x30F]  }
.LBB2_4:
0x48: {  	p0 =	seq.s32 s14, $0x9800;
	[tilespmem:s13+$0x3F0] =	vst v4  }
0x49: {  	[tilespmem:s13+$0x380] =	vst v4  }
0x4a: {  	[tilespmem:s13+$0x390] =	vst v4  }
.Ltmp3:
0x4b: {  	[tilespmem:s13+$0x3A0] =	vst v4;
	(pc) =	sbr.rel @!p0 .LBB2_4-.Ltmp3, $4  }
0x4c: {  	[tilespmem:s13+$0x3B0] =	vst v4  }
0x4d: {  	[tilespmem:s13+$0x3C0] =	vst v4  }
0x4e: {  	[tilespmem:s13+$0x3D0] =	vst v4  }
0x4f: {  	[tilespmem:s13+$0x3E0] =	vst v4;
	s13 =	sshra.s32 s14, $0x2;
	s14 =	sadd.s32 $0x800, s14  }
0x50: {  	(v2sf) =	vpush v29, $0x0  }
0x51: {  	(v2sf) =	vpush v30, $0x0  }
0x52: {  	(v2sf) =	vpush v31, $0x0  }
0x53: {  	(v2sf) =	vpush v32, $0x0  }
0x54: {  	(v2sf) =	vpush v33, $0x0  }
0x55: {  	(v2sf) =	vpush v34, $0x0  }
0x56: {  	(v2sf) =	vpush v35, $0x0  }
0x57: {  	(v2sf) =	vpush v36, $0x0;
	_ =	sdelay $0x2  }
0x58: {  	[tilespmem:s13+$0x3F0] =	vst v4  }
0x59: {  	[tilespmem:s13+$0x380] =	vst v4;
	(v2sf) =	vpush v28, $0x0  }
0x5a: {  	[tilespmem:s13+$0x390] =	vst v4  }
0x5b: {  	[tilespmem:s13+$0x3A0] =	vst v4  }
0x5c: {  	[tilespmem:s13+$0x3B0] =	vst v4;
	(v2sf) =	vpush v27, $0x0  }
0x5d: {  	[tilespmem:s13+$0x3C0] =	vst v4;
	s16 =	spop (v2sf)  }
0x5e: {  	[tilespmem:s13+$0x3D0] =	vst v4;
	s14 =	spop (v2sf)  }
0x5f: {  	[tilespmem:s13+$0x3E0] =	vst v4;
	(v2sf) =	vpush v26, $0x0;
	s13 =	sadd.f32 s14, s16;
	s17 =	spop (v2sf)  }
0x60: {  	(v2sf) =	vpush v25, $0x0;
	s18 =	spop (v2sf)  }
0x61: {  	(v2sf) =	vpush v24, $0x0;
	s13 =	sadd.f32 s17, s13;
	s19 =	spop (v2sf)  }
0x62: {  	(v2sf) =	vpush v23, $0x0;
	s20 =	spop (v2sf)  }
0x63: {  	s13 =	sadd.f32 s18, s13;
	s21 =	spop (v2sf);
	(v2sf) =	vpush v21, $0x0  }
0x64: {  	s22 =	spop (v2sf);
	(v2sf) =	vpush v22, $0x0  }
0x65: {  	s13 =	sadd.f32 s19, s13;
	(v2sf) =	vpush v19, $0x0  }
0x66: {  	(v2sf) =	vpush v20, $0x0  }
0x67: {  	s13 =	sadd.f32 s20, s13  }
0x68: {  	s23 =	spop (v2sf);
	(v2sf) =	vpush v18, $0x0  }
0x69: {  	(v2sf) =	vpush v17, $0x0;
	s13 =	sadd.f32 s21, s13;
	_ =	sdelay $0x1  }
0x6a: {  	s24 =	spop (v2sf);
	(v2sf) =	vpush v16, $0x0;
	s13 =	sadd.f32 s22, s13  }
0x6b: {  	(v2sf) =	vpush v15, $0x0  }
0x6c: {  	s13 =	sadd.f32 s23, s13  }
0x6d: {  	s25 =	spop (v2sf);
	(v2sf) =	vpush v14, $0x0  }
0x6e: {  	s26 =	spop (v2sf);
	(v2sf) =	vpush v13, $0x0;
	s13 =	sadd.f32 s24, s13  }
0x6f: {  	s28 =	spop (v2sf);
	(v2sf) =	vpush v12, $0x0  }
0x70: {  	s29 =	spop (v2sf);
	(v2sf) =	vpush v11, $0x0;
	s13 =	sadd.f32 s25, s13  }
0x71: {  	(v2sf) =	vpush v10, $0x0;
	s30 =	spop (v2sf)  }
0x72: {  	(v2sf) =	vpush v9, $0x0;
	s13 =	sadd.f32 s26, s13;
	s31 =	spop (v2sf)  }
0x73: {  	(v2sf) =	vpush v8, $0x0;
	s15 =	spop (v2sf)  }
0x74: {  	(v2sf) =	vpush v7, $0x0;
	s13 =	sadd.f32 s28, s13;
	s16 =	spop (v2sf)  }
0x75: {  	(v2sf) =	vpush v6, $0x0;
	s14 =	smin.f32 s15, s16  }
0x76: {  	(v2sf) =	vpush v5, $0x0;
	s17 =	spop (v2sf);
	s13 =	sadd.f32 s29, s13  }
0x77: {  	s14 =	smin.f32 s14, s17;
	s18 =	spop (v2sf)  }
0x78: {  	s14 =	smin.f32 s14, s18  }
0x79: {  	s19 =	spop (v2sf);
	s13 =	sadd.f32 s30, s13  }
0x7a: {  	s14 =	smin.f32 s14, s19;
	s20 =	spop (v2sf)  }
0x7b: {  	s14 =	smin.f32 s14, s20  }
0x7c: {  	s21 =	spop (v2sf);
	s13 =	sadd.f32 s31, s13  }
0x7d: {  	s14 =	smin.f32 s14, s21;
	s22 =	spop (v2sf)  }
0x7e: {  	s14 =	smin.f32 s14, s22;
	s23 =	spop (v2sf)  }
0x7f: {  	s14 =	smin.f32 s14, s23;
	s24 =	spop (v2sf)  }
0x80: {  	s14 =	smin.f32 s14, s24;
	s25 =	spop (v2sf)  }
0x81: {  	s14 =	smin.f32 s14, s25;
	s26 =	spop (v2sf)  }
0x82: {  	s14 =	smin.f32 s14, s26;
	s28 =	spop (v2sf)  }
0x83: {  	s14 =	smin.f32 s14, s28;
	s29 =	spop (v2sf)  }
0x84: {  	s14 =	smin.f32 s14, s29;
	s30 =	spop (v2sf)  }
0x85: {  	s14 =	smin.f32 s14, s30;
	s31 =	spop (v2sf)  }
0x86: {  	s14 =	smin.f32 s14, s31  }
0x87: {  	s13 =	scvt.f32.s32 s13;
	s14 =	scvt.f32.s32 s14  }
0x88: {  	_ = 	snop  }
0x89: {  	p0 =	slt.s32 s14, s13  }
.Ltmp4:
0x8a: {  	_ = 	snop;
	(pc) =	sbr.rel @!p0 .LBB2_13-.Ltmp4, $4  }
.Ltmp5:
0x8b: {  	_ = 	snop;
	(pc) =	sbr.rel @p0 .LBB2_6-.Ltmp5, $4  }
0x8c: {  	_ = 	snop  }
0x8d: {  	_ = 	snop  }
0x8e: {  	_ = 	snop  }
0x8f: {  	_ = 	snop  }
.LBB2_8:
0x90: {  	_ = 	snop  }
.LBB2_11:
0x91: {  	s15 =	sadd.s32 s15, s4;
	s17 =	sor.u32 s19, s20  }
0x92: {  	s15 =	scvt.s32.f32 s15;
	v12 =	vld [tilespmem:s17+$0x380];
	_ =	sdelay $0x1  }
0x93: {  	[tilespmem:s16+$0x500] =	vst @p0 v10;
	v61 =	vadd.f32 s15, v3  }
0x94: {  	[tilespmem:s16+$0x480] =	vst @p0 v9;
	v62 =	vld [tilespmem:s17+$0x500]  }
0x95: {  	[tilespmem:s16+$0x400] =	vst @p0 v11;
	v13 =	vld [tilespmem:s17+$0x480];
	vm0 =	vge.f32 v61, v5;
	vm1 =	vle.f32 v61, v6  }
0x96: {  	v63 =	vld [tilespmem:s17+$0x400];
	vm0 =	vmand vm0, vm1;
	vm15 =	vlt.f32 v7, v12  }
0x97: {  	vm0 =	vmand vm0, vm15  }
0x98: {  	v7 =	vsel vm0, v7, v12  }
0x99: {  	v8 =	vsel vm0, v8, v62;
	[tilespmem:s17+$0x380] =	vst v7  }
0x9a: {  	v6 =	vsel vm0, v6, v13;
	[tilespmem:s17+$0x500] =	vst v8  }
0x9b: {  	v5 =	vsel vm0, v5, v63;
	[tilespmem:s17+$0x480] =	vst v6  }
0x9c: {  	[tilespmem:s17+$0x400] =	vst v5  }
.LBB2_12:
0x9d: {  	s14 =	sadd.s32 $0x1, s14  }
0x9e: {  	p0 =	sne.s32 s14, s13  }
.Ltmp6:
0x9f: {  	_ = 	snop;
	(pc) =	sbr.rel @!p0 .LBB2_13-.Ltmp6, $1  }
0xa0: {  	_ =	sdelay $0x3  }
.LBB2_6:
0xa1: {  	s15 =	sand.u32 $0xFFFFFF80, s14;
	s16 =	sand.u32 $0x7F, s14  }
0xa2: {  	v5 =	vld [tilespmem:s14+$0x0];
	s17 =	sor.u32 s16, s15  }
0xa3: {  	v6 =	vld [tilespmem:s17+$0x100];
	_ =	sdelay $0x3  }
0xa4: {  	(v2sf) =	vpush v5, $0x0  }
0xa5: {  	(v2sf) =	vpush v6, $0x0;
	_ =	sdelay $0xd  }
0xa6: {  	s31 =	spop (v2sf)  }
0xa7: {  	s18 =	spop (v2sf)  }
0xa8: {  	s18 =	ssub.f32 s18, s5  }
0xa9: {  	s17 =	ssub.f32 s31, s5  }
0xaa: {  	s18 =	smin.f32 s18, $2.559000000e+03  }
0xab: {  	s17 =	smax.f32 s17, $0.0e+00;
	s18 =	smax.f32 s18, $-1.000000000e+00  }
0xac: {  	s17 =	scvt.f32.s32 s17;
	s18 =	scvt.f32.s32 s18  }
0xad: {  	_ = 	snop  }
0xae: {  	s17 =	sshra.s32 s17, $0x4;
	s18 =	sshra.s32 s18, $0x4  }
0xaf: {  	p0 =	sgt.s32 s17, s18  }
.Ltmp7:
0xb0: {  	_ = 	snop;
	(pc) =	sbr.rel @p0 .LBB2_12-.Ltmp7, $1  }
0xb1: {  	_ =	sdelay $0x3  }
0xb2: {  	s18 =	ssub.s32 s18, s17  }
0xb3: {  	s18 =	sadd.s32 $0x1, s18  }
0xb4: {  	p1 =	sne.s32 s18, $0x1  }
.Ltmp8:
0xb5: {  	_ = 	snop;
	(pc) =	sbr.rel @!p1 .LBB2_8-.Ltmp8, $4  }
0xb6: {  	_ = 	snop  }
0xb7: {  	v5 =	vbroadcast v5, $0x0;
	v6 =	vbroadcast v6, $0x0;
	s16 =	sadd.s32 s16, s15  }
0xb8: {  	s15 =	sshll.u32 s17, $0x4;
	s17 =	sshll.u32 s17, $0x6;
	p0 =	por $0x0, $0x0  }
0xb9: {  	s19 =	sand.u32 $0x70, s15;
	v8 =	vld.msk [tilespmem:s16+$0x200 ss:$0x0], $0xffff;
	s20 =	sand.u32 $0xFFFFFE00, s17;
	v7 =	vsub.f32 v6, v5;
	s18 =	sadd.s32 $0xFFFFFFFF, s18  }
0xba: {  	s21 =	sadd.s32 s15, s4;
	s16 =	sor.u32 s19, s20  }
0xbb: {  	s31 =	scvt.s32.f32 s21;
	v9 =	vld [tilespmem:s16+$0x380]  }
0xbc: {  	v10 =	vld [tilespmem:s16+$0x480]  }
0xbd: {  	v12 =	vld [tilespmem:s16+$0x500];
	v11 =	vadd.f32 s31, v3  }
0xbe: {  	p1 =	sne.s32 s18, $0x1;
	v13 =	vld [tilespmem:s16+$0x400]  }
.Ltmp9:
0xbf: {  	vm0 =	vge.f32 v11, v5;
	vm1 =	vle.f32 v11, v6;
	(pc) =	sbr.rel @!p1 .LBB2_11-.Ltmp9, $4  }
0xc0: {  	vm0 =	vmand vm0, vm1;
	vm15 =	vlt.f32 v7, v9  }
0xc1: {  	vm0 =	vmand vm0, vm15  }
0xc2: {  	s15 =	sadd.s32 $0x10, s15;
	s17 =	sadd.s32 $0x40, s17;
	s18 =	sadd.s32 $0xFFFFFFFF, s18;
	v11 =	vsel vm0, v7, v9  }
0xc3: {  	p0 =	por $0x1, $0x1;
	s19 =	sand.u32 $0x70, s15;
	s20 =	sand.u32 $0xFFFFFE00, s17;
	v9 =	vsel vm0, v6, v10;
	v10 =	vsel vm0, v8, v12;
	[tilespmem:s16+$0x380] =	vst v11;
	v11 =	vsel vm0, v5, v13  }
.LBB2_10:
0xc4: {  	p1 =	sne.s32 s18, $0x1;
	s21 =	sadd.s32 s15, s4;
	s19 =	sor.u32 s19, s20;
	[tilespmem:s16+$0x500] =	vst v10  }
0xc5: {  	s20 =	scvt.s32.f32 s21;
	v10 =	vld [tilespmem:s19+$0x380];
	[tilespmem:s16+$0x480] =	vst v9  }
0xc6: {  	v9 =	vld [tilespmem:s19+$0x480];
	[tilespmem:s16+$0x400] =	vst v11;
	s16 =	smov.u32 s19  }
0xc7: {  	v11 =	vadd.f32 s20, v3;
	v12 =	vld [tilespmem:s16+$0x500]  }
0xc8: {  	v13 =	vld [tilespmem:s16+$0x400]  }
.Ltmp10:
0xc9: {  	vm0 =	vge.f32 v11, v5;
	vm1 =	vle.f32 v11, v6;
	(pc) =	sbr.rel @p1 .LBB2_10-.Ltmp10, $4  }
0xca: {  	vm0 =	vmand vm0, vm1;
	vm1 =	vlt.f32 v7, v10  }
0xcb: {  	vm0 =	vmand vm0, vm1  }
0xcc: {  	s17 =	sadd.s32 $0x40, s17;
	s15 =	sadd.s32 $0x10, s15;
	v11 =	vsel vm0, v7, v10;
	v9 =	vsel vm0, v6, v9;
	v10 =	vsel vm0, v8, v12  }
0xcd: {  	s18 =	sadd.s32 $0xFFFFFFFF, s18;
	s19 =	sand.u32 $0x70, s15;
	s20 =	sand.u32 $0xFFFFFE00, s17;
	[tilespmem:s16+$0x380] =	vst v11;
	v11 =	vsel vm0, v5, v13  }
.Ltmp11:
0xce: {  	_ = 	snop;
	(pc) =	sbr.rel .LBB2_11-.Ltmp11, $1  }
0xcf: {  	_ =	sdelay $0x3  }
.LBB2_14:
0xd0: {  	_ =	sfence.sel $0x180000  }
0xd1: {  	[bflag:$0x0] =	sbarrier.arrive $0xFFFF  }
0xd2: {  	p0 =	sne.s32 s0, $0x0;
	_ =	strace $0x90000047  }
0xd3: {  	s0 =	sadd.s32 @!p0 $0x100000, s1;
	[bflag:$0x2] =	sbarrier.arrive $0xFFFF  }
0xd4: {  	[sflag:s0] =	ssyncadd.tile.s32 @!p0 $0x1;
	_ =	shalt  }
.Lfunc_end2:
_tile_overlayer_lowered:
.L_overlay_start_2:
0xd5: {  	(tag) =	ssettag $0x2  }
0xd6: {  	s0 =	rddreg [dreg:$0x0];
	s2 =	stileid.u32  }
0xd7: {  	s1 =	rddreg [dreg:$0x1];
	p0 =	sne.s32 s2, $0x0  }
0xd8: {  	s3 =	rddreg [dreg:$0x2];
	[bflag:$0x3] =	sbarrier.arrive $0xFFFF;
	s2 =	simm.s32 @!p0 $0x1C01  }
0xd9: {  	[timem:s3], [sflag:s2] =	dma.local @!p0 [hbm:s0], s1  }
0xda: {  	s0 =	simm.s32 @!p0 $0x1  }
0xdb: {  	_ =	swait.ge @!p0 [sflag:s0], s1  }
0xdc: {  	s1 =	ssub.s32 @!p0 $0x0, s1;
	[sflag:s0] =	ssyncset.done @!p0 $0x0  }
0xdd: {  	[sflag:s0] =	ssyncadd.s32 @!p0 s1  }
0xde: {  	[bflag:$0x3] =	sbarrier.arrive $0xFFFF  }
0xdf: {  	_ =	shalt  }

</sc_bundles>
